<compile_context>
chip_gen: v7x
topology: tpu7x:2x2x1
jax: 0.10.2.dev20260603
libtpu: 0.0.44.dev20260713+nightly
codegen_flags: <defaults>
</compile_context>

<pallas_src>
import functools

import jax
import jax.numpy as jnp
from jax import lax
from jax.experimental import pallas as pl
from jax.experimental.pallas import tpu as pltpu, tpu_sc as plsc

N, E, F_IN, H, C = 10000, 320000, 128, 256, 40

NC, NS = 2, 16
CHUNK = 128
N_PAD = 10240
ROWS_PER_TILE = N_PAD // NS
E_PAD = 32 * 80 * CHUNK
AGG_CHUNKS = E_PAD // NS // CHUNK
DEG_CHUNKS = E_PAD // (NC * NS) // CHUNK
ECHUNK = 256
AGG_OPS = E_PAD // NS // ECHUNK
HH = H // NC

_sc_mesh = plsc.VectorSubcoreMesh(core_axis_name="c", subcore_axis_name="s")



@functools.partial(
    pl.kernel,
    out_type=jax.ShapeDtypeStruct((NC * N_PAD, 128), jnp.float32),
    mesh=_sc_mesh,
    scratch_types=[
        pltpu.VMEM((CHUNK,), jnp.int32),
        pltpu.VMEM((CHUNK, 128), jnp.float32),
        pltpu.VMEM((CHUNK, 128), jnp.float32),
        pltpu.VMEM_SHARED((N_PAD, 128), jnp.float32),
    ],
)
def _deg_kernel(dst_flat_hbm, ones_hbm, zeros_hbm, out_hbm,
                dst_v, ones_v, stage_v, deg_sh):
    c = lax.axis_index("c")
    s = lax.axis_index("s")
    w = c * NS + s
    r0 = s * ROWS_PER_TILE
    pltpu.sync_copy(zeros_hbm, stage_v)
    for k in range(ROWS_PER_TILE // CHUNK):
        pltpu.sync_copy(stage_v, deg_sh.at[pl.ds(r0 + k * CHUNK, CHUNK)])
    pltpu.sync_copy(ones_hbm, ones_v)
    e0 = w * DEG_CHUNKS * CHUNK
    plsc.subcore_barrier()

    @pl.loop(0, DEG_CHUNKS)
    def _deg_loop(j):
        pltpu.sync_copy(dst_flat_hbm.at[pl.ds(e0 + j * CHUNK, CHUNK)], dst_v)
        pltpu.sync_copy(ones_v, deg_sh.at[dst_v], add=True)
    plsc.subcore_barrier()
    for k in range(ROWS_PER_TILE // CHUNK):
        pltpu.sync_copy(deg_sh.at[pl.ds(r0 + k * CHUNK, CHUNK)], stage_v)
        pltpu.sync_copy(
            stage_v, out_hbm.at[pl.ds(c * N_PAD + r0 + k * CHUNK, CHUNK)])


@functools.partial(
    pl.kernel,
    out_type=jax.ShapeDtypeStruct((NC * N_PAD, HH), jnp.float32),
    mesh=_sc_mesh,
    scratch_types=[
        pltpu.VMEM((CHUNK,), jnp.int32),
        pltpu.VMEM((CHUNK,), jnp.int32),
        pltpu.VMEM((CHUNK, HH), jnp.float32),
        pltpu.VMEM_SHARED((N_PAD, HH), jnp.float32),
        pltpu.SemaphoreType.DMA,
    ],
)
def _agg_kernel(y_hbm, src_hbm, dst_hbm, out_hbm,
                src_v, dst_v, rows_v, acc_sh, sem):
    c = lax.axis_index("c")
    s = lax.axis_index("s")
    r0 = s * ROWS_PER_TILE
    ybase = c * N_PAD + r0
    pltpu.sync_copy(y_hbm.at[pl.ds(ybase, ROWS_PER_TILE)],
                    acc_sh.at[pl.ds(r0, ROWS_PER_TILE)])
    src_e0 = (c * NS + s) * AGG_CHUNKS * CHUNK
    dst_e0 = s * AGG_CHUNKS * CHUNK
    plsc.subcore_barrier()

    @pl.loop(0, AGG_CHUNKS)
    def _agg_loop(j):
        pltpu.sync_copy(src_hbm.at[pl.ds(src_e0 + j * CHUNK, CHUNK)], src_v)
        pltpu.sync_copy(dst_hbm.at[pl.ds(dst_e0 + j * CHUNK, CHUNK)], dst_v)
        pltpu.async_copy(y_hbm.at[src_v], rows_v, sem).wait()
        pltpu.sync_copy(rows_v, acc_sh.at[dst_v], add=True)

    plsc.subcore_barrier()
    pltpu.sync_copy(acc_sh.at[pl.ds(r0, ROWS_PER_TILE)],
                    out_hbm.at[pl.ds(ybase, ROWS_PER_TILE)])



BN = 256


def _pre_body(x_ref, w1_ref, deg_ref, y_ref, dinv_ref):
    dinv = lax.rsqrt(jnp.maximum(deg_ref[...], 1.0))
    xw = jnp.dot(x_ref[...], w1_ref[...], preferred_element_type=jnp.float32)
    y = xw * dinv
    y_ref[0] = y[:, :HH]
    y_ref[1] = y[:, HH:]
    dinv_ref[...] = dinv


def _mid_body(agg_ref, dinv_ref, b1_ref, w2_ref, y_ref):
    dinv = dinv_ref[...]
    a = jnp.concatenate([agg_ref[0], agg_ref[1]], axis=1)
    h = jnp.maximum(a * dinv + b1_ref[...], 0.0)
    y = jnp.dot(h, w2_ref[...], preferred_element_type=jnp.float32) * dinv
    y_ref[0] = y[:, :HH]
    y_ref[1] = y[:, HH:]


def _post_body(agg_ref, dinv_ref, b2_ref, wl_ref, bl_ref, out_ref):
    dinv = dinv_ref[...]
    a = jnp.concatenate([agg_ref[0], agg_ref[1]], axis=1)
    h = jnp.maximum(a * dinv + b2_ref[...], 0.0)
    out_ref[...] = (
        jnp.dot(h, wl_ref[...], preferred_element_type=jnp.float32) + bl_ref[...]
    )


_GRID = (N_PAD // BN,)
_split_spec = pl.BlockSpec((2, BN, HH), lambda i: (0, i, 0))
_col_spec = pl.BlockSpec((BN, 1), lambda i: (i, 0))


def _pre_call(x, w1, deg):
    return pl.pallas_call(
        _pre_body,
        grid=_GRID,
        in_specs=[
            pl.BlockSpec((BN, F_IN), lambda i: (i, 0)),
            pl.BlockSpec((F_IN, H), lambda i: (0, 0)),
            _col_spec,
        ],
        out_specs=[_split_spec, _col_spec],
        out_shape=[
            jax.ShapeDtypeStruct((2, N_PAD, HH), jnp.float32),
            jax.ShapeDtypeStruct((N_PAD, 1), jnp.float32),
        ],
    )(x, w1, deg)


def _mid_call(agg, dinv, b1, w2):
    return pl.pallas_call(
        _mid_body,
        grid=_GRID,
        in_specs=[
            _split_spec,
            _col_spec,
            pl.BlockSpec((1, H), lambda i: (0, 0)),
            pl.BlockSpec((H, H), lambda i: (0, 0)),
        ],
        out_specs=_split_spec,
        out_shape=jax.ShapeDtypeStruct((2, N_PAD, HH), jnp.float32),
    )(agg, dinv, b1, w2)


def _post_call(agg, dinv, b2, wl, bl):
    return pl.pallas_call(
        _post_body,
        grid=_GRID,
        in_specs=[
            _split_spec,
            _col_spec,
            pl.BlockSpec((1, H), lambda i: (0, 0)),
            pl.BlockSpec((H, 128), lambda i: (0, 0)),
            pl.BlockSpec((1, 128), lambda i: (0, 0)),
        ],
        out_specs=pl.BlockSpec((BN, 128), lambda i: (i, 0)),
        out_shape=jax.ShapeDtypeStruct((N_PAD, 128), jnp.float32),
    )(agg, dinv, b2, wl, bl)



def kernel(x, edge_index, W1, b1, W2, b2, Wl, bl):
    src = edge_index[0]
    dst = edge_index[1]
    pad = E_PAD - E
    src_p = jnp.concatenate([src, jnp.zeros((pad,), jnp.int32)])
    dst_p = jnp.concatenate([dst, jnp.full((pad,), N, jnp.int32)])

    src_b = jnp.concatenate(
        [src_p, src_p + N_PAD, jnp.zeros((CHUNK,), jnp.int32)])
    dst_p = jnp.concatenate([dst_p, jnp.full((CHUNK,), N, jnp.int32)])

    ones16 = jnp.ones((CHUNK, 128), jnp.float32)
    zeros16 = jnp.zeros((CHUNK, 128), jnp.float32)

    deg2 = _deg_kernel(dst_p, ones16, zeros16)
    deg = deg2[:N_PAD, :1] + deg2[N_PAD:, :1] + 1.0

    x_pad = jnp.pad(x, ((0, N_PAD - N), (0, 0)))
    wl_pad = jnp.pad(Wl, ((0, 0), (0, 128 - C)))
    bl_pad = jnp.pad(bl, ((0, 128 - C),)).reshape(1, 128)
    b1_2 = b1.reshape(1, H)
    b2_2 = b2.reshape(1, H)

    y1, dinv = _pre_call(x_pad, W1, deg)
    agg1 = _agg_kernel(y1.reshape(NC * N_PAD, HH), src_b, dst_p)
    y2 = _mid_call(agg1.reshape(NC, N_PAD, HH), dinv, b1_2, W2)
    agg2 = _agg_kernel(y2.reshape(NC * N_PAD, HH), src_b, dst_p)
    out = _post_call(agg2.reshape(NC, N_PAD, HH), dinv, b2_2, wl_pad, bl_pad)
    return out[:N, :C]

# --- scband reference (transcript-rebuilt; emitter-appended) ---
"""Pipeline reference for scband-gcn-3075196584114 (READ-ONLY COPY).

The authoritative reference and input builder live on the scoring server;
editing this copy changes nothing except your own understanding.
"""

import jax, jax.numpy as jnp
import numpy as np

N, E, F_IN, H, C = 10000, 320000, 128, 256, 40


def setup_inputs(seed: int = 0) -> dict:
    key = jax.random.key(seed)
    ks = jax.random.split(key, 8)
    x = jax.random.normal(ks[0], (N, F_IN), dtype=jnp.float32)
    edge_index = jax.random.randint(ks[1], (2, E), 0, N, dtype=jnp.int32)
    # GCNConv glorot-style weights + zero-init biases (PyG default)
    W1 = jax.random.normal(ks[2], (F_IN, H), dtype=jnp.float32) * (1.0 / np.sqrt(F_IN))
    b1 = jnp.zeros((H,), dtype=jnp.float32)
    W2 = jax.random.normal(ks[3], (H, H), dtype=jnp.float32) * (1.0 / np.sqrt(H))
    b2 = jnp.zeros((H,), dtype=jnp.float32)
    Wl = jax.random.normal(ks[4], (H, C), dtype=jnp.float32) * (1.0 / np.sqrt(H))
    bl = jnp.zeros((C,), dtype=jnp.float32)
    return {"x": x, "edge_index": edge_index, "W1": W1, "b1": b1, "W2": W2, "b2": b2, "Wl": Wl, "bl": bl}


def _gcn_conv(x, edge_index, W, b):
    n = x.shape[0]
    src = edge_index[0]
    dst = edge_index[1]
    loop = jnp.arange(n, dtype=src.dtype)
    src = jnp.concatenate([src, loop])
    dst = jnp.concatenate([dst, loop])
    # transform first (as in PyG GCNConv), then propagate with sym-norm
    xw = x @ W
    deg = jnp.zeros((n,), dtype=x.dtype).at[dst].add(1.0)
    dinv = jax.lax.rsqrt(jnp.maximum(deg, 1.0))
    norm = dinv[src] * dinv[dst]
    msg = xw[src] * norm[:, None]
    out = jax.ops.segment_sum(msg, dst, num_segments=n)
    return out + b


def reference(x, edge_index, W1, b1, W2, b2, Wl, bl):
    # dropout is identity in eval mode (training=False)
    h = jax.nn.relu(_gcn_conv(x, edge_index, W1, b1))
    h = jax.nn.relu(_gcn_conv(h, edge_index, W2, b2))
    return h @ Wl + bl

if __name__ == "__main__":
    import jax
    _d = setup_inputs()
    print(jax.jit(kernel)(*tuple(_d.values())))

</pallas_src>

<mosaic_0001>
#map = affine_map<(d0, d1) -> (0)>
#map1 = affine_map<(d0, d1) -> (0, 0)>
module attributes {stable_mosaic.version = 14 : i64} {
  func.func @_deg_kernel(%arg0: i32, %arg1: i32, %arg2: memref<327808xi32, #tpu.memory_space<hbm>>, %arg3: memref<128x128xf32, #tpu.memory_space<hbm>>, %arg4: memref<128x128xf32, #tpu.memory_space<hbm>>, %arg5: memref<20480x128xf32, #tpu.memory_space<hbm>>, %arg6: memref<128xi32, #tpu.memory_space<vmem>>, %arg7: memref<128x128xf32, #tpu.memory_space<vmem>>, %arg8: memref<128x128xf32, #tpu.memory_space<vmem>>, %arg9: memref<10240x128xf32, #tpu.memory_space<vmem_shared>>) attributes {dimension_semantics = [#tpu.dimension_semantics<core_parallel>, #tpu.dimension_semantics<subcore_parallel>], iteration_bounds = array<i64: 2, 16>, scalar_prefetch = 0 : i64, scratch_operands = 4 : i64, tpu.core_type = #tpu.core_type<sc_vector_subcore>, window_params = [{transform_indices = #map}, {transform_indices = #map1}, {transform_indices = #map1}, {transform_indices = #map1}]} {
    %mul3A = arith.constant 16 : i32
    %mul3A_0 = arith.muli %arg0, %mul3A : i32
    %add3A = arith.addi %mul3A_0, %arg1 : i32
    %mul3A_1 = arith.constant 640 : i32
    %mul3A_2 = arith.muli %arg1, %mul3A_1 : i32
    "tpu.region"() ({
      %run_scoped3A = tpu.sem_alloc : memref<!tpu.dma_semaphore, #tpu.memory_space<semaphore_mem>>
      tpu.enqueue_dma source(%arg4 : memref<128x128xf32, #tpu.memory_space<hbm>>) target(%arg8 : memref<128x128xf32, #tpu.memory_space<vmem>>) target_semaphore(%run_scoped3A : memref<!tpu.dma_semaphore, #tpu.memory_space<semaphore_mem>>)
      tpu.wait_dma2 semaphore(%run_scoped3A : memref<!tpu.dma_semaphore, #tpu.memory_space<semaphore_mem>>) src(%arg4 : memref<128x128xf32, #tpu.memory_space<hbm>>) dst(%arg8 : memref<128x128xf32, #tpu.memory_space<vmem>>)
      tpu.yield
    }) : () -> ()
    %add3A_3 = arith.constant 0 : i32
    %add3A_4 = arith.addi %mul3A_2, %add3A_3 : i32
    "tpu.region"() ({
      %run_scoped3A = tpu.sem_alloc : memref<!tpu.dma_semaphore, #tpu.memory_space<semaphore_mem>>
      %dma_start3A = arith.constant 0 : i32
      %dma_start3A_57 = tpu.memref_slice %arg9[%add3A_4, %dma_start3A] : memref<10240x128xf32, #tpu.memory_space<vmem_shared>> -> memref<128x128xf32, #tpu.memory_space<vmem_shared>>
      %dma_start3A_58 = arith.constant 0 : i32
      %dma_start3A_59 = tpu.memref_slice %arg9[%add3A_4, %dma_start3A_58] : memref<10240x128xf32, #tpu.memory_space<vmem_shared>> -> memref<128x128xf32, #tpu.memory_space<vmem_shared>>
      tpu.enqueue_dma source(%arg8 : memref<128x128xf32, #tpu.memory_space<vmem>>) target(%dma_start3A_59 : memref<128x128xf32, #tpu.memory_space<vmem_shared>>) target_semaphore(%run_scoped3A : memref<!tpu.dma_semaphore, #tpu.memory_space<semaphore_mem>>)
      %dma_wait3A = arith.constant 0 : i32
      %dma_wait3A_60 = tpu.memref_slice %arg9[%add3A_4, %dma_wait3A] : memref<10240x128xf32, #tpu.memory_space<vmem_shared>> -> memref<128x128xf32, #tpu.memory_space<vmem_shared>>
      %dma_wait3A_61 = arith.constant 0 : i32
      %dma_wait3A_62 = tpu.memref_slice %arg9[%add3A_4, %dma_wait3A_61] : memref<10240x128xf32, #tpu.memory_space<vmem_shared>> -> memref<128x128xf32, #tpu.memory_space<vmem_shared>>
      tpu.wait_dma2 semaphore(%run_scoped3A : memref<!tpu.dma_semaphore, #tpu.memory_space<semaphore_mem>>) src(%arg8 : memref<128x128xf32, #tpu.memory_space<vmem>>) dst(%dma_wait3A_62 : memref<128x128xf32, #tpu.memory_space<vmem_shared>>)
      tpu.yield
    }) : () -> ()
    %add3A_5 = arith.constant 128 : i32
    %add3A_6 = arith.addi %mul3A_2, %add3A_5 : i32
    "tpu.region"() ({
      %run_scoped3A = tpu.sem_alloc : memref<!tpu.dma_semaphore, #tpu.memory_space<semaphore_mem>>
      %dma_start3A = arith.constant 0 : i32
      %dma_start3A_57 = tpu.memref_slice %arg9[%add3A_6, %dma_start3A] : memref<10240x128xf32, #tpu.memory_space<vmem_shared>> -> memref<128x128xf32, #tpu.memory_space<vmem_shared>>
      %dma_start3A_58 = arith.constant 0 : i32
      %dma_start3A_59 = tpu.memref_slice %arg9[%add3A_6, %dma_start3A_58] : memref<10240x128xf32, #tpu.memory_space<vmem_shared>> -> memref<128x128xf32, #tpu.memory_space<vmem_shared>>
      tpu.enqueue_dma source(%arg8 : memref<128x128xf32, #tpu.memory_space<vmem>>) target(%dma_start3A_59 : memref<128x128xf32, #tpu.memory_space<vmem_shared>>) target_semaphore(%run_scoped3A : memref<!tpu.dma_semaphore, #tpu.memory_space<semaphore_mem>>)
      %dma_wait3A = arith.constant 0 : i32
      %dma_wait3A_60 = tpu.memref_slice %arg9[%add3A_6, %dma_wait3A] : memref<10240x128xf32, #tpu.memory_space<vmem_shared>> -> memref<128x128xf32, #tpu.memory_space<vmem_shared>>
      %dma_wait3A_61 = arith.constant 0 : i32
      %dma_wait3A_62 = tpu.memref_slice %arg9[%add3A_6, %dma_wait3A_61] : memref<10240x128xf32, #tpu.memory_space<vmem_shared>> -> memref<128x128xf32, #tpu.memory_space<vmem_shared>>
      tpu.wait_dma2 semaphore(%run_scoped3A : memref<!tpu.dma_semaphore, #tpu.memory_space<semaphore_mem>>) src(%arg8 : memref<128x128xf32, #tpu.memory_space<vmem>>) dst(%dma_wait3A_62 : memref<128x128xf32, #tpu.memory_space<vmem_shared>>)
      tpu.yield
    }) : () -> ()
    %add3A_7 = arith.constant 256 : i32
    %add3A_8 = arith.addi %mul3A_2, %add3A_7 : i32
    "tpu.region"() ({
      %run_scoped3A = tpu.sem_alloc : memref<!tpu.dma_semaphore, #tpu.memory_space<semaphore_mem>>
      %dma_start3A = arith.constant 0 : i32
      %dma_start3A_57 = tpu.memref_slice %arg9[%add3A_8, %dma_start3A] : memref<10240x128xf32, #tpu.memory_space<vmem_shared>> -> memref<128x128xf32, #tpu.memory_space<vmem_shared>>
      %dma_start3A_58 = arith.constant 0 : i32
      %dma_start3A_59 = tpu.memref_slice %arg9[%add3A_8, %dma_start3A_58] : memref<10240x128xf32, #tpu.memory_space<vmem_shared>> -> memref<128x128xf32, #tpu.memory_space<vmem_shared>>
      tpu.enqueue_dma source(%arg8 : memref<128x128xf32, #tpu.memory_space<vmem>>) target(%dma_start3A_59 : memref<128x128xf32, #tpu.memory_space<vmem_shared>>) target_semaphore(%run_scoped3A : memref<!tpu.dma_semaphore, #tpu.memory_space<semaphore_mem>>)
      %dma_wait3A = arith.constant 0 : i32
      %dma_wait3A_60 = tpu.memref_slice %arg9[%add3A_8, %dma_wait3A] : memref<10240x128xf32, #tpu.memory_space<vmem_shared>> -> memref<128x128xf32, #tpu.memory_space<vmem_shared>>
      %dma_wait3A_61 = arith.constant 0 : i32
      %dma_wait3A_62 = tpu.memref_slice %arg9[%add3A_8, %dma_wait3A_61] : memref<10240x128xf32, #tpu.memory_space<vmem_shared>> -> memref<128x128xf32, #tpu.memory_space<vmem_shared>>
      tpu.wait_dma2 semaphore(%run_scoped3A : memref<!tpu.dma_semaphore, #tpu.memory_space<semaphore_mem>>) src(%arg8 : memref<128x128xf32, #tpu.memory_space<vmem>>) dst(%dma_wait3A_62 : memref<128x128xf32, #tpu.memory_space<vmem_shared>>)
      tpu.yield
    }) : () -> ()
    %add3A_9 = arith.constant 384 : i32
    %add3A_10 = arith.addi %mul3A_2, %add3A_9 : i32
    "tpu.region"() ({
      %run_scoped3A = tpu.sem_alloc : memref<!tpu.dma_semaphore, #tpu.memory_space<semaphore_mem>>
      %dma_start3A = arith.constant 0 : i32
      %dma_start3A_57 = tpu.memref_slice %arg9[%add3A_10, %dma_start3A] : memref<10240x128xf32, #tpu.memory_space<vmem_shared>> -> memref<128x128xf32, #tpu.memory_space<vmem_shared>>
      %dma_start3A_58 = arith.constant 0 : i32
      %dma_start3A_59 = tpu.memref_slice %arg9[%add3A_10, %dma_start3A_58] : memref<10240x128xf32, #tpu.memory_space<vmem_shared>> -> memref<128x128xf32, #tpu.memory_space<vmem_shared>>
      tpu.enqueue_dma source(%arg8 : memref<128x128xf32, #tpu.memory_space<vmem>>) target(%dma_start3A_59 : memref<128x128xf32, #tpu.memory_space<vmem_shared>>) target_semaphore(%run_scoped3A : memref<!tpu.dma_semaphore, #tpu.memory_space<semaphore_mem>>)
      %dma_wait3A = arith.constant 0 : i32
      %dma_wait3A_60 = tpu.memref_slice %arg9[%add3A_10, %dma_wait3A] : memref<10240x128xf32, #tpu.memory_space<vmem_shared>> -> memref<128x128xf32, #tpu.memory_space<vmem_shared>>
      %dma_wait3A_61 = arith.constant 0 : i32
      %dma_wait3A_62 = tpu.memref_slice %arg9[%add3A_10, %dma_wait3A_61] : memref<10240x128xf32, #tpu.memory_space<vmem_shared>> -> memref<128x128xf32, #tpu.memory_space<vmem_shared>>
      tpu.wait_dma2 semaphore(%run_scoped3A : memref<!tpu.dma_semaphore, #tpu.memory_space<semaphore_mem>>) src(%arg8 : memref<128x128xf32, #tpu.memory_space<vmem>>) dst(%dma_wait3A_62 : memref<128x128xf32, #tpu.memory_space<vmem_shared>>)
      tpu.yield
    }) : () -> ()
    %add3A_11 = arith.constant 512 : i32
    %add3A_12 = arith.addi %mul3A_2, %add3A_11 : i32
    "tpu.region"() ({
      %run_scoped3A = tpu.sem_alloc : memref<!tpu.dma_semaphore, #tpu.memory_space<semaphore_mem>>
      %dma_start3A = arith.constant 0 : i32
      %dma_start3A_57 = tpu.memref_slice %arg9[%add3A_12, %dma_start3A] : memref<10240x128xf32, #tpu.memory_space<vmem_shared>> -> memref<128x128xf32, #tpu.memory_space<vmem_shared>>
      %dma_start3A_58 = arith.constant 0 : i32
      %dma_start3A_59 = tpu.memref_slice %arg9[%add3A_12, %dma_start3A_58] : memref<10240x128xf32, #tpu.memory_space<vmem_shared>> -> memref<128x128xf32, #tpu.memory_space<vmem_shared>>
      tpu.enqueue_dma source(%arg8 : memref<128x128xf32, #tpu.memory_space<vmem>>) target(%dma_start3A_59 : memref<128x128xf32, #tpu.memory_space<vmem_shared>>) target_semaphore(%run_scoped3A : memref<!tpu.dma_semaphore, #tpu.memory_space<semaphore_mem>>)
      %dma_wait3A = arith.constant 0 : i32
      %dma_wait3A_60 = tpu.memref_slice %arg9[%add3A_12, %dma_wait3A] : memref<10240x128xf32, #tpu.memory_space<vmem_shared>> -> memref<128x128xf32, #tpu.memory_space<vmem_shared>>
      %dma_wait3A_61 = arith.constant 0 : i32
      %dma_wait3A_62 = tpu.memref_slice %arg9[%add3A_12, %dma_wait3A_61] : memref<10240x128xf32, #tpu.memory_space<vmem_shared>> -> memref<128x128xf32, #tpu.memory_space<vmem_shared>>
      tpu.wait_dma2 semaphore(%run_scoped3A : memref<!tpu.dma_semaphore, #tpu.memory_space<semaphore_mem>>) src(%arg8 : memref<128x128xf32, #tpu.memory_space<vmem>>) dst(%dma_wait3A_62 : memref<128x128xf32, #tpu.memory_space<vmem_shared>>)
      tpu.yield
    }) : () -> ()
    "tpu.region"() ({
      %run_scoped3A = tpu.sem_alloc : memref<!tpu.dma_semaphore, #tpu.memory_space<semaphore_mem>>
      tpu.enqueue_dma source(%arg3 : memref<128x128xf32, #tpu.memory_space<hbm>>) target(%arg7 : memref<128x128xf32, #tpu.memory_space<vmem>>) target_semaphore(%run_scoped3A : memref<!tpu.dma_semaphore, #tpu.memory_space<semaphore_mem>>)
      tpu.wait_dma2 semaphore(%run_scoped3A : memref<!tpu.dma_semaphore, #tpu.memory_space<semaphore_mem>>) src(%arg3 : memref<128x128xf32, #tpu.memory_space<hbm>>) dst(%arg7 : memref<128x128xf32, #tpu.memory_space<vmem>>)
      tpu.yield
    }) : () -> ()
    %mul3A_13 = arith.constant 80 : i32
    %mul3A_14 = arith.muli %add3A, %mul3A_13 : i32
    %mul3A_15 = arith.constant 128 : i32
    %mul3A_16 = arith.muli %mul3A_14, %mul3A_15 : i32
    %barrier3A = arith.constant 0 : index
    tpu.barrier barrier_id(%barrier3A)
    %scan3A = arith.constant 0 : i32
    %scan3A_17 = arith.constant 80 : i32
    %scan3A_18 = arith.addi %scan3A, %scan3A_17 : i32
    %scan3A_19 = arith.constant 1 : i32
    scf.for %scan3A_57 = %scan3A to %scan3A_18 step %scan3A_19  : i32 {
      %mul3A_58 = arith.constant 1 : i32
      %mul3A_59 = arith.muli %scan3A_57, %mul3A_58 : i32
      %add3A_60 = arith.constant 0 : i32
      %add3A_61 = arith.addi %add3A_60, %mul3A_59 : i32
      %mul3A_62 = arith.constant 128 : i32
      %mul3A_63 = arith.muli %add3A_61, %mul3A_62 : i32
      %add3A_64 = arith.addi %mul3A_16, %mul3A_63 : i32
      "tpu.region"() ({
        %run_scoped3A = tpu.sem_alloc : memref<!tpu.dma_semaphore, #tpu.memory_space<semaphore_mem>>
        %dma_start3A = tpu.memref_slice %arg2[%add3A_64] : memref<327808xi32, #tpu.memory_space<hbm>> -> memref<128xi32, #tpu.memory_space<hbm>>
        %dma_start3A_65 = tpu.memref_slice %arg2[%add3A_64] : memref<327808xi32, #tpu.memory_space<hbm>> -> memref<128xi32, #tpu.memory_space<hbm>>
        tpu.enqueue_dma source(%dma_start3A_65 : memref<128xi32, #tpu.memory_space<hbm>>) target(%arg6 : memref<128xi32, #tpu.memory_space<vmem>>) target_semaphore(%run_scoped3A : memref<!tpu.dma_semaphore, #tpu.memory_space<semaphore_mem>>)
        %dma_wait3A = tpu.memref_slice %arg2[%add3A_64] : memref<327808xi32, #tpu.memory_space<hbm>> -> memref<128xi32, #tpu.memory_space<hbm>>
        %dma_wait3A_66 = tpu.memref_slice %arg2[%add3A_64] : memref<327808xi32, #tpu.memory_space<hbm>> -> memref<128xi32, #tpu.memory_space<hbm>>
        tpu.wait_dma2 semaphore(%run_scoped3A : memref<!tpu.dma_semaphore, #tpu.memory_space<semaphore_mem>>) src(%dma_wait3A_66 : memref<128xi32, #tpu.memory_space<hbm>>) dst(%arg6 : memref<128xi32, #tpu.memory_space<vmem>>)
        tpu.yield
      }) : () -> ()
      "tpu.region"() ({
        %run_scoped3A = tpu.sem_alloc : memref<!tpu.dma_semaphore, #tpu.memory_space<semaphore_mem>>
        %dma_start3A = arith.constant 0 : i32
        %dma_start3A_65 = arith.constant 0 : i32
        %dma_start3A_66 = tpu.memref_slice %arg9[%dma_start3A, %dma_start3A_65] : memref<10240x128xf32, #tpu.memory_space<vmem_shared>> -> memref<10240x128xf32, #tpu.memory_space<vmem_shared>>
        tpu.enqueue_indirect_dma source(%arg7 : memref<128x128xf32, #tpu.memory_space<vmem>>) target(%dma_start3A_66 : memref<10240x128xf32, #tpu.memory_space<vmem_shared>>) offsets(%arg6 : memref<128xi32, #tpu.memory_space<vmem>>) semaphore(%run_scoped3A : memref<!tpu.dma_semaphore, #tpu.memory_space<semaphore_mem>>) {add = true}
        %dma_wait3A = arith.constant 0 : i32
        %dma_wait3A_67 = arith.constant 0 : i32
        %dma_wait3A_68 = tpu.memref_slice %arg9[%dma_wait3A, %dma_wait3A_67] : memref<10240x128xf32, #tpu.memory_space<vmem_shared>> -> memref<10240x128xf32, #tpu.memory_space<vmem_shared>>
        tpu.wait_indirect_dma semaphore(%run_scoped3A : memref<!tpu.dma_semaphore, #tpu.memory_space<semaphore_mem>>) src(%arg7 : memref<128x128xf32, #tpu.memory_space<vmem>>) dst(%dma_wait3A_68 : memref<10240x128xf32, #tpu.memory_space<vmem_shared>>)
        tpu.yield
      }) : () -> ()
    }
    %scan3A_20 = arith.constant 80 : i32
    %barrier3A_21 = arith.constant 0 : index
    tpu.barrier barrier_id(%barrier3A_21)
    %add3A_22 = arith.constant 0 : i32
    %add3A_23 = arith.addi %mul3A_2, %add3A_22 : i32
    "tpu.region"() ({
      %run_scoped3A = tpu.sem_alloc : memref<!tpu.dma_semaphore, #tpu.memory_space<semaphore_mem>>
      %dma_start3A = arith.constant 0 : i32
      %dma_start3A_57 = tpu.memref_slice %arg9[%add3A_23, %dma_start3A] : memref<10240x128xf32, #tpu.memory_space<vmem_shared>> -> memref<128x128xf32, #tpu.memory_space<vmem_shared>>
      %dma_start3A_58 = arith.constant 0 : i32
      %dma_start3A_59 = tpu.memref_slice %arg9[%add3A_23, %dma_start3A_58] : memref<10240x128xf32, #tpu.memory_space<vmem_shared>> -> memref<128x128xf32, #tpu.memory_space<vmem_shared>>
      tpu.enqueue_dma source(%dma_start3A_59 : memref<128x128xf32, #tpu.memory_space<vmem_shared>>) target(%arg8 : memref<128x128xf32, #tpu.memory_space<vmem>>) target_semaphore(%run_scoped3A : memref<!tpu.dma_semaphore, #tpu.memory_space<semaphore_mem>>)
      %dma_wait3A = arith.constant 0 : i32
      %dma_wait3A_60 = tpu.memref_slice %arg9[%add3A_23, %dma_wait3A] : memref<10240x128xf32, #tpu.memory_space<vmem_shared>> -> memref<128x128xf32, #tpu.memory_space<vmem_shared>>
      %dma_wait3A_61 = arith.constant 0 : i32
      %dma_wait3A_62 = tpu.memref_slice %arg9[%add3A_23, %dma_wait3A_61] : memref<10240x128xf32, #tpu.memory_space<vmem_shared>> -> memref<128x128xf32, #tpu.memory_space<vmem_shared>>
      tpu.wait_dma2 semaphore(%run_scoped3A : memref<!tpu.dma_semaphore, #tpu.memory_space<semaphore_mem>>) src(%dma_wait3A_62 : memref<128x128xf32, #tpu.memory_space<vmem_shared>>) dst(%arg8 : memref<128x128xf32, #tpu.memory_space<vmem>>)
      tpu.yield
    }) : () -> ()
    %mul3A_24 = arith.constant 10240 : i32
    %mul3A_25 = arith.muli %arg0, %mul3A_24 : i32
    %add3A_26 = arith.addi %mul3A_25, %mul3A_2 : i32
    %add3A_27 = arith.constant 0 : i32
    %add3A_28 = arith.addi %add3A_26, %add3A_27 : i32
    "tpu.region"() ({
      %run_scoped3A = tpu.sem_alloc : memref<!tpu.dma_semaphore, #tpu.memory_space<semaphore_mem>>
      %dma_start3A = arith.constant 0 : i32
      %dma_start3A_57 = tpu.memref_slice %arg5[%add3A_28, %dma_start3A] : memref<20480x128xf32, #tpu.memory_space<hbm>> -> memref<128x128xf32, #tpu.memory_space<hbm>>
      %dma_start3A_58 = arith.constant 0 : i32
      %dma_start3A_59 = tpu.memref_slice %arg5[%add3A_28, %dma_start3A_58] : memref<20480x128xf32, #tpu.memory_space<hbm>> -> memref<128x128xf32, #tpu.memory_space<hbm>>
      tpu.enqueue_dma source(%arg8 : memref<128x128xf32, #tpu.memory_space<vmem>>) target(%dma_start3A_59 : memref<128x128xf32, #tpu.memory_space<hbm>>) target_semaphore(%run_scoped3A : memref<!tpu.dma_semaphore, #tpu.memory_space<semaphore_mem>>)
      %dma_wait3A = arith.constant 0 : i32
      %dma_wait3A_60 = tpu.memref_slice %arg5[%add3A_28, %dma_wait3A] : memref<20480x128xf32, #tpu.memory_space<hbm>> -> memref<128x128xf32, #tpu.memory_space<hbm>>
      %dma_wait3A_61 = arith.constant 0 : i32
      %dma_wait3A_62 = tpu.memref_slice %arg5[%add3A_28, %dma_wait3A_61] : memref<20480x128xf32, #tpu.memory_space<hbm>> -> memref<128x128xf32, #tpu.memory_space<hbm>>
      tpu.wait_dma2 semaphore(%run_scoped3A : memref<!tpu.dma_semaphore, #tpu.memory_space<semaphore_mem>>) src(%arg8 : memref<128x128xf32, #tpu.memory_space<vmem>>) dst(%dma_wait3A_62 : memref<128x128xf32, #tpu.memory_space<hbm>>)
      tpu.yield
    }) : () -> ()
    %add3A_29 = arith.constant 128 : i32
    %add3A_30 = arith.addi %mul3A_2, %add3A_29 : i32
    "tpu.region"() ({
      %run_scoped3A = tpu.sem_alloc : memref<!tpu.dma_semaphore, #tpu.memory_space<semaphore_mem>>
      %dma_start3A = arith.constant 0 : i32
      %dma_start3A_57 = tpu.memref_slice %arg9[%add3A_30, %dma_start3A] : memref<10240x128xf32, #tpu.memory_space<vmem_shared>> -> memref<128x128xf32, #tpu.memory_space<vmem_shared>>
      %dma_start3A_58 = arith.constant 0 : i32
      %dma_start3A_59 = tpu.memref_slice %arg9[%add3A_30, %dma_start3A_58] : memref<10240x128xf32, #tpu.memory_space<vmem_shared>> -> memref<128x128xf32, #tpu.memory_space<vmem_shared>>
      tpu.enqueue_dma source(%dma_start3A_59 : memref<128x128xf32, #tpu.memory_space<vmem_shared>>) target(%arg8 : memref<128x128xf32, #tpu.memory_space<vmem>>) target_semaphore(%run_scoped3A : memref<!tpu.dma_semaphore, #tpu.memory_space<semaphore_mem>>)
      %dma_wait3A = arith.constant 0 : i32
      %dma_wait3A_60 = tpu.memref_slice %arg9[%add3A_30, %dma_wait3A] : memref<10240x128xf32, #tpu.memory_space<vmem_shared>> -> memref<128x128xf32, #tpu.memory_space<vmem_shared>>
      %dma_wait3A_61 = arith.constant 0 : i32
      %dma_wait3A_62 = tpu.memref_slice %arg9[%add3A_30, %dma_wait3A_61] : memref<10240x128xf32, #tpu.memory_space<vmem_shared>> -> memref<128x128xf32, #tpu.memory_space<vmem_shared>>
      tpu.wait_dma2 semaphore(%run_scoped3A : memref<!tpu.dma_semaphore, #tpu.memory_space<semaphore_mem>>) src(%dma_wait3A_62 : memref<128x128xf32, #tpu.memory_space<vmem_shared>>) dst(%arg8 : memref<128x128xf32, #tpu.memory_space<vmem>>)
      tpu.yield
    }) : () -> ()
    %mul3A_31 = arith.constant 10240 : i32
    %mul3A_32 = arith.muli %arg0, %mul3A_31 : i32
    %add3A_33 = arith.addi %mul3A_32, %mul3A_2 : i32
    %add3A_34 = arith.constant 128 : i32
    %add3A_35 = arith.addi %add3A_33, %add3A_34 : i32
    "tpu.region"() ({
      %run_scoped3A = tpu.sem_alloc : memref<!tpu.dma_semaphore, #tpu.memory_space<semaphore_mem>>
      %dma_start3A = arith.constant 0 : i32
      %dma_start3A_57 = tpu.memref_slice %arg5[%add3A_35, %dma_start3A] : memref<20480x128xf32, #tpu.memory_space<hbm>> -> memref<128x128xf32, #tpu.memory_space<hbm>>
      %dma_start3A_58 = arith.constant 0 : i32
      %dma_start3A_59 = tpu.memref_slice %arg5[%add3A_35, %dma_start3A_58] : memref<20480x128xf32, #tpu.memory_space<hbm>> -> memref<128x128xf32, #tpu.memory_space<hbm>>
      tpu.enqueue_dma source(%arg8 : memref<128x128xf32, #tpu.memory_space<vmem>>) target(%dma_start3A_59 : memref<128x128xf32, #tpu.memory_space<hbm>>) target_semaphore(%run_scoped3A : memref<!tpu.dma_semaphore, #tpu.memory_space<semaphore_mem>>)
      %dma_wait3A = arith.constant 0 : i32
      %dma_wait3A_60 = tpu.memref_slice %arg5[%add3A_35, %dma_wait3A] : memref<20480x128xf32, #tpu.memory_space<hbm>> -> memref<128x128xf32, #tpu.memory_space<hbm>>
      %dma_wait3A_61 = arith.constant 0 : i32
      %dma_wait3A_62 = tpu.memref_slice %arg5[%add3A_35, %dma_wait3A_61] : memref<20480x128xf32, #tpu.memory_space<hbm>> -> memref<128x128xf32, #tpu.memory_space<hbm>>
      tpu.wait_dma2 semaphore(%run_scoped3A : memref<!tpu.dma_semaphore, #tpu.memory_space<semaphore_mem>>) src(%arg8 : memref<128x128xf32, #tpu.memory_space<vmem>>) dst(%dma_wait3A_62 : memref<128x128xf32, #tpu.memory_space<hbm>>)
      tpu.yield
    }) : () -> ()
    %add3A_36 = arith.constant 256 : i32
    %add3A_37 = arith.addi %mul3A_2, %add3A_36 : i32
    "tpu.region"() ({
      %run_scoped3A = tpu.sem_alloc : memref<!tpu.dma_semaphore, #tpu.memory_space<semaphore_mem>>
      %dma_start3A = arith.constant 0 : i32
      %dma_start3A_57 = tpu.memref_slice %arg9[%add3A_37, %dma_start3A] : memref<10240x128xf32, #tpu.memory_space<vmem_shared>> -> memref<128x128xf32, #tpu.memory_space<vmem_shared>>
      %dma_start3A_58 = arith.constant 0 : i32
      %dma_start3A_59 = tpu.memref_slice %arg9[%add3A_37, %dma_start3A_58] : memref<10240x128xf32, #tpu.memory_space<vmem_shared>> -> memref<128x128xf32, #tpu.memory_space<vmem_shared>>
      tpu.enqueue_dma source(%dma_start3A_59 : memref<128x128xf32, #tpu.memory_space<vmem_shared>>) target(%arg8 : memref<128x128xf32, #tpu.memory_space<vmem>>) target_semaphore(%run_scoped3A : memref<!tpu.dma_semaphore, #tpu.memory_space<semaphore_mem>>)
      %dma_wait3A = arith.constant 0 : i32
      %dma_wait3A_60 = tpu.memref_slice %arg9[%add3A_37, %dma_wait3A] : memref<10240x128xf32, #tpu.memory_space<vmem_shared>> -> memref<128x128xf32, #tpu.memory_space<vmem_shared>>
      %dma_wait3A_61 = arith.constant 0 : i32
      %dma_wait3A_62 = tpu.memref_slice %arg9[%add3A_37, %dma_wait3A_61] : memref<10240x128xf32, #tpu.memory_space<vmem_shared>> -> memref<128x128xf32, #tpu.memory_space<vmem_shared>>
      tpu.wait_dma2 semaphore(%run_scoped3A : memref<!tpu.dma_semaphore, #tpu.memory_space<semaphore_mem>>) src(%dma_wait3A_62 : memref<128x128xf32, #tpu.memory_space<vmem_shared>>) dst(%arg8 : memref<128x128xf32, #tpu.memory_space<vmem>>)
      tpu.yield
    }) : () -> ()
    %mul3A_38 = arith.constant 10240 : i32
    %mul3A_39 = arith.muli %arg0, %mul3A_38 : i32
    %add3A_40 = arith.addi %mul3A_39, %mul3A_2 : i32
    %add3A_41 = arith.constant 256 : i32
    %add3A_42 = arith.addi %add3A_40, %add3A_41 : i32
    "tpu.region"() ({
      %run_scoped3A = tpu.sem_alloc : memref<!tpu.dma_semaphore, #tpu.memory_space<semaphore_mem>>
      %dma_start3A = arith.constant 0 : i32
      %dma_start3A_57 = tpu.memref_slice %arg5[%add3A_42, %dma_start3A] : memref<20480x128xf32, #tpu.memory_space<hbm>> -> memref<128x128xf32, #tpu.memory_space<hbm>>
      %dma_start3A_58 = arith.constant 0 : i32
      %dma_start3A_59 = tpu.memref_slice %arg5[%add3A_42, %dma_start3A_58] : memref<20480x128xf32, #tpu.memory_space<hbm>> -> memref<128x128xf32, #tpu.memory_space<hbm>>
      tpu.enqueue_dma source(%arg8 : memref<128x128xf32, #tpu.memory_space<vmem>>) target(%dma_start3A_59 : memref<128x128xf32, #tpu.memory_space<hbm>>) target_semaphore(%run_scoped3A : memref<!tpu.dma_semaphore, #tpu.memory_space<semaphore_mem>>)
      %dma_wait3A = arith.constant 0 : i32
      %dma_wait3A_60 = tpu.memref_slice %arg5[%add3A_42, %dma_wait3A] : memref<20480x128xf32, #tpu.memory_space<hbm>> -> memref<128x128xf32, #tpu.memory_space<hbm>>
      %dma_wait3A_61 = arith.constant 0 : i32
      %dma_wait3A_62 = tpu.memref_slice %arg5[%add3A_42, %dma_wait3A_61] : memref<20480x128xf32, #tpu.memory_space<hbm>> -> memref<128x128xf32, #tpu.memory_space<hbm>>
      tpu.wait_dma2 semaphore(%run_scoped3A : memref<!tpu.dma_semaphore, #tpu.memory_space<semaphore_mem>>) src(%arg8 : memref<128x128xf32, #tpu.memory_space<vmem>>) dst(%dma_wait3A_62 : memref<128x128xf32, #tpu.memory_space<hbm>>)
      tpu.yield
    }) : () -> ()
    %add3A_43 = arith.constant 384 : i32
    %add3A_44 = arith.addi %mul3A_2, %add3A_43 : i32
    "tpu.region"() ({
      %run_scoped3A = tpu.sem_alloc : memref<!tpu.dma_semaphore, #tpu.memory_space<semaphore_mem>>
      %dma_start3A = arith.constant 0 : i32
      %dma_start3A_57 = tpu.memref_slice %arg9[%add3A_44, %dma_start3A] : memref<10240x128xf32, #tpu.memory_space<vmem_shared>> -> memref<128x128xf32, #tpu.memory_space<vmem_shared>>
      %dma_start3A_58 = arith.constant 0 : i32
      %dma_start3A_59 = tpu.memref_slice %arg9[%add3A_44, %dma_start3A_58] : memref<10240x128xf32, #tpu.memory_space<vmem_shared>> -> memref<128x128xf32, #tpu.memory_space<vmem_shared>>
      tpu.enqueue_dma source(%dma_start3A_59 : memref<128x128xf32, #tpu.memory_space<vmem_shared>>) target(%arg8 : memref<128x128xf32, #tpu.memory_space<vmem>>) target_semaphore(%run_scoped3A : memref<!tpu.dma_semaphore, #tpu.memory_space<semaphore_mem>>)
      %dma_wait3A = arith.constant 0 : i32
      %dma_wait3A_60 = tpu.memref_slice %arg9[%add3A_44, %dma_wait3A] : memref<10240x128xf32, #tpu.memory_space<vmem_shared>> -> memref<128x128xf32, #tpu.memory_space<vmem_shared>>
      %dma_wait3A_61 = arith.constant 0 : i32
      %dma_wait3A_62 = tpu.memref_slice %arg9[%add3A_44, %dma_wait3A_61] : memref<10240x128xf32, #tpu.memory_space<vmem_shared>> -> memref<128x128xf32, #tpu.memory_space<vmem_shared>>
      tpu.wait_dma2 semaphore(%run_scoped3A : memref<!tpu.dma_semaphore, #tpu.memory_space<semaphore_mem>>) src(%dma_wait3A_62 : memref<128x128xf32, #tpu.memory_space<vmem_shared>>) dst(%arg8 : memref<128x128xf32, #tpu.memory_space<vmem>>)
      tpu.yield
    }) : () -> ()
    %mul3A_45 = arith.constant 10240 : i32
    %mul3A_46 = arith.muli %arg0, %mul3A_45 : i32
    %add3A_47 = arith.addi %mul3A_46, %mul3A_2 : i32
    %add3A_48 = arith.constant 384 : i32
    %add3A_49 = arith.addi %add3A_47, %add3A_48 : i32
    "tpu.region"() ({
      %run_scoped3A = tpu.sem_alloc : memref<!tpu.dma_semaphore, #tpu.memory_space<semaphore_mem>>
      %dma_start3A = arith.constant 0 : i32
      %dma_start3A_57 = tpu.memref_slice %arg5[%add3A_49, %dma_start3A] : memref<20480x128xf32, #tpu.memory_space<hbm>> -> memref<128x128xf32, #tpu.memory_space<hbm>>
      %dma_start3A_58 = arith.constant 0 : i32
      %dma_start3A_59 = tpu.memref_slice %arg5[%add3A_49, %dma_start3A_58] : memref<20480x128xf32, #tpu.memory_space<hbm>> -> memref<128x128xf32, #tpu.memory_space<hbm>>
      tpu.enqueue_dma source(%arg8 : memref<128x128xf32, #tpu.memory_space<vmem>>) target(%dma_start3A_59 : memref<128x128xf32, #tpu.memory_space<hbm>>) target_semaphore(%run_scoped3A : memref<!tpu.dma_semaphore, #tpu.memory_space<semaphore_mem>>)
      %dma_wait3A = arith.constant 0 : i32
      %dma_wait3A_60 = tpu.memref_slice %arg5[%add3A_49, %dma_wait3A] : memref<20480x128xf32, #tpu.memory_space<hbm>> -> memref<128x128xf32, #tpu.memory_space<hbm>>
      %dma_wait3A_61 = arith.constant 0 : i32
      %dma_wait3A_62 = tpu.memref_slice %arg5[%add3A_49, %dma_wait3A_61] : memref<20480x128xf32, #tpu.memory_space<hbm>> -> memref<128x128xf32, #tpu.memory_space<hbm>>
      tpu.wait_dma2 semaphore(%run_scoped3A : memref<!tpu.dma_semaphore, #tpu.memory_space<semaphore_mem>>) src(%arg8 : memref<128x128xf32, #tpu.memory_space<vmem>>) dst(%dma_wait3A_62 : memref<128x128xf32, #tpu.memory_space<hbm>>)
      tpu.yield
    }) : () -> ()
    %add3A_50 = arith.constant 512 : i32
    %add3A_51 = arith.addi %mul3A_2, %add3A_50 : i32
    "tpu.region"() ({
      %run_scoped3A = tpu.sem_alloc : memref<!tpu.dma_semaphore, #tpu.memory_space<semaphore_mem>>
      %dma_start3A = arith.constant 0 : i32
      %dma_start3A_57 = tpu.memref_slice %arg9[%add3A_51, %dma_start3A] : memref<10240x128xf32, #tpu.memory_space<vmem_shared>> -> memref<128x128xf32, #tpu.memory_space<vmem_shared>>
      %dma_start3A_58 = arith.constant 0 : i32
      %dma_start3A_59 = tpu.memref_slice %arg9[%add3A_51, %dma_start3A_58] : memref<10240x128xf32, #tpu.memory_space<vmem_shared>> -> memref<128x128xf32, #tpu.memory_space<vmem_shared>>
      tpu.enqueue_dma source(%dma_start3A_59 : memref<128x128xf32, #tpu.memory_space<vmem_shared>>) target(%arg8 : memref<128x128xf32, #tpu.memory_space<vmem>>) target_semaphore(%run_scoped3A : memref<!tpu.dma_semaphore, #tpu.memory_space<semaphore_mem>>)
      %dma_wait3A = arith.constant 0 : i32
      %dma_wait3A_60 = tpu.memref_slice %arg9[%add3A_51, %dma_wait3A] : memref<10240x128xf32, #tpu.memory_space<vmem_shared>> -> memref<128x128xf32, #tpu.memory_space<vmem_shared>>
      %dma_wait3A_61 = arith.constant 0 : i32
      %dma_wait3A_62 = tpu.memref_slice %arg9[%add3A_51, %dma_wait3A_61] : memref<10240x128xf32, #tpu.memory_space<vmem_shared>> -> memref<128x128xf32, #tpu.memory_space<vmem_shared>>
      tpu.wait_dma2 semaphore(%run_scoped3A : memref<!tpu.dma_semaphore, #tpu.memory_space<semaphore_mem>>) src(%dma_wait3A_62 : memref<128x128xf32, #tpu.memory_space<vmem_shared>>) dst(%arg8 : memref<128x128xf32, #tpu.memory_space<vmem>>)
      tpu.yield
    }) : () -> ()
    %mul3A_52 = arith.constant 10240 : i32
    %mul3A_53 = arith.muli %arg0, %mul3A_52 : i32
    %add3A_54 = arith.addi %mul3A_53, %mul3A_2 : i32
    %add3A_55 = arith.constant 512 : i32
    %add3A_56 = arith.addi %add3A_54, %add3A_55 : i32
    "tpu.region"() ({
      %run_scoped3A = tpu.sem_alloc : memref<!tpu.dma_semaphore, #tpu.memory_space<semaphore_mem>>
      %dma_start3A = arith.constant 0 : i32
      %dma_start3A_57 = tpu.memref_slice %arg5[%add3A_56, %dma_start3A] : memref<20480x128xf32, #tpu.memory_space<hbm>> -> memref<128x128xf32, #tpu.memory_space<hbm>>
      %dma_start3A_58 = arith.constant 0 : i32
      %dma_start3A_59 = tpu.memref_slice %arg5[%add3A_56, %dma_start3A_58] : memref<20480x128xf32, #tpu.memory_space<hbm>> -> memref<128x128xf32, #tpu.memory_space<hbm>>
      tpu.enqueue_dma source(%arg8 : memref<128x128xf32, #tpu.memory_space<vmem>>) target(%dma_start3A_59 : memref<128x128xf32, #tpu.memory_space<hbm>>) target_semaphore(%run_scoped3A : memref<!tpu.dma_semaphore, #tpu.memory_space<semaphore_mem>>)
      %dma_wait3A = arith.constant 0 : i32
      %dma_wait3A_60 = tpu.memref_slice %arg5[%add3A_56, %dma_wait3A] : memref<20480x128xf32, #tpu.memory_space<hbm>> -> memref<128x128xf32, #tpu.memory_space<hbm>>
      %dma_wait3A_61 = arith.constant 0 : i32
      %dma_wait3A_62 = tpu.memref_slice %arg5[%add3A_56, %dma_wait3A_61] : memref<20480x128xf32, #tpu.memory_space<hbm>> -> memref<128x128xf32, #tpu.memory_space<hbm>>
      tpu.wait_dma2 semaphore(%run_scoped3A : memref<!tpu.dma_semaphore, #tpu.memory_space<semaphore_mem>>) src(%arg8 : memref<128x128xf32, #tpu.memory_space<vmem>>) dst(%dma_wait3A_62 : memref<128x128xf32, #tpu.memory_space<hbm>>)
      tpu.yield
    }) : () -> ()
    return
  }
}

#map = affine_map<(d0, d1) -> (0, 0)>
#map1 = affine_map<(d0, d1) -> (0)>
module attributes {stable_mosaic.version = 14 : i64} {
  func.func @_agg_kernel(%arg0: i32, %arg1: i32, %arg2: memref<20480x128xf32, #tpu.memory_space<hbm>>, %arg3: memref<655488xi32, #tpu.memory_space<hbm>>, %arg4: memref<327808xi32, #tpu.memory_space<hbm>>, %arg5: memref<20480x128xf32, #tpu.memory_space<hbm>>, %arg6: memref<128xi32, #tpu.memory_space<vmem>>, %arg7: memref<128xi32, #tpu.memory_space<vmem>>, %arg8: memref<128x128xf32, #tpu.memory_space<vmem>>, %arg9: memref<10240x128xf32, #tpu.memory_space<vmem_shared>>, %arg10: memref<!tpu.dma_semaphore, #tpu.memory_space<semaphore_mem>>) attributes {dimension_semantics = [#tpu.dimension_semantics<core_parallel>, #tpu.dimension_semantics<subcore_parallel>], iteration_bounds = array<i64: 2, 16>, scalar_prefetch = 0 : i64, scratch_operands = 5 : i64, tpu.core_type = #tpu.core_type<sc_vector_subcore>, window_params = [{transform_indices = #map}, {transform_indices = #map1}, {transform_indices = #map1}, {transform_indices = #map}]} {
    %mul3A = arith.constant 640 : i32
    %mul3A_0 = arith.muli %arg1, %mul3A : i32
    %mul3A_1 = arith.constant 10240 : i32
    %mul3A_2 = arith.muli %arg0, %mul3A_1 : i32
    %add3A = arith.addi %mul3A_2, %mul3A_0 : i32
    "tpu.region"() ({
      %run_scoped3A = tpu.sem_alloc : memref<!tpu.dma_semaphore, #tpu.memory_space<semaphore_mem>>
      %dma_start3A = arith.constant 0 : i32
      %dma_start3A_19 = tpu.memref_slice %arg9[%mul3A_0, %dma_start3A] : memref<10240x128xf32, #tpu.memory_space<vmem_shared>> -> memref<640x128xf32, #tpu.memory_space<vmem_shared>>
      %dma_start3A_20 = arith.constant 0 : i32
      %dma_start3A_21 = tpu.memref_slice %arg2[%add3A, %dma_start3A_20] : memref<20480x128xf32, #tpu.memory_space<hbm>> -> memref<640x128xf32, #tpu.memory_space<hbm>>
      tpu.enqueue_dma source(%dma_start3A_21 : memref<640x128xf32, #tpu.memory_space<hbm>>) target(%dma_start3A_19 : memref<640x128xf32, #tpu.memory_space<vmem_shared>>) target_semaphore(%run_scoped3A : memref<!tpu.dma_semaphore, #tpu.memory_space<semaphore_mem>>)
      %dma_wait3A = arith.constant 0 : i32
      %dma_wait3A_22 = tpu.memref_slice %arg9[%mul3A_0, %dma_wait3A] : memref<10240x128xf32, #tpu.memory_space<vmem_shared>> -> memref<640x128xf32, #tpu.memory_space<vmem_shared>>
      %dma_wait3A_23 = arith.constant 0 : i32
      %dma_wait3A_24 = tpu.memref_slice %arg2[%add3A, %dma_wait3A_23] : memref<20480x128xf32, #tpu.memory_space<hbm>> -> memref<640x128xf32, #tpu.memory_space<hbm>>
      tpu.wait_dma2 semaphore(%run_scoped3A : memref<!tpu.dma_semaphore, #tpu.memory_space<semaphore_mem>>) src(%dma_wait3A_24 : memref<640x128xf32, #tpu.memory_space<hbm>>) dst(%dma_wait3A_22 : memref<640x128xf32, #tpu.memory_space<vmem_shared>>)
      tpu.yield
    }) : () -> ()
    %mul3A_3 = arith.constant 16 : i32
    %mul3A_4 = arith.muli %arg0, %mul3A_3 : i32
    %add3A_5 = arith.addi %mul3A_4, %arg1 : i32
    %mul3A_6 = arith.constant 160 : i32
    %mul3A_7 = arith.muli %add3A_5, %mul3A_6 : i32
    %mul3A_8 = arith.constant 128 : i32
    %mul3A_9 = arith.muli %mul3A_7, %mul3A_8 : i32
    %mul3A_10 = arith.constant 160 : i32
    %mul3A_11 = arith.muli %arg1, %mul3A_10 : i32
    %mul3A_12 = arith.constant 128 : i32
    %mul3A_13 = arith.muli %mul3A_11, %mul3A_12 : i32
    %barrier3A = arith.constant 0 : index
    tpu.barrier barrier_id(%barrier3A)
    %scan3A = arith.constant 0 : i32
    %scan3A_14 = arith.constant 160 : i32
    %scan3A_15 = arith.addi %scan3A, %scan3A_14 : i32
    %scan3A_16 = arith.constant 1 : i32
    scf.for %scan3A_19 = %scan3A to %scan3A_15 step %scan3A_16  : i32 {
      %mul3A_20 = arith.constant 1 : i32
      %mul3A_21 = arith.muli %scan3A_19, %mul3A_20 : i32
      %add3A_22 = arith.constant 0 : i32
      %add3A_23 = arith.addi %add3A_22, %mul3A_21 : i32
      %mul3A_24 = arith.constant 128 : i32
      %mul3A_25 = arith.muli %add3A_23, %mul3A_24 : i32
      %add3A_26 = arith.addi %mul3A_9, %mul3A_25 : i32
      "tpu.region"() ({
        %run_scoped3A = tpu.sem_alloc : memref<!tpu.dma_semaphore, #tpu.memory_space<semaphore_mem>>
        %dma_start3A_34 = tpu.memref_slice %arg3[%add3A_26] : memref<655488xi32, #tpu.memory_space<hbm>> -> memref<128xi32, #tpu.memory_space<hbm>>
        %dma_start3A_35 = tpu.memref_slice %arg3[%add3A_26] : memref<655488xi32, #tpu.memory_space<hbm>> -> memref<128xi32, #tpu.memory_space<hbm>>
        tpu.enqueue_dma source(%dma_start3A_35 : memref<128xi32, #tpu.memory_space<hbm>>) target(%arg6 : memref<128xi32, #tpu.memory_space<vmem>>) target_semaphore(%run_scoped3A : memref<!tpu.dma_semaphore, #tpu.memory_space<semaphore_mem>>)
        %dma_wait3A_36 = tpu.memref_slice %arg3[%add3A_26] : memref<655488xi32, #tpu.memory_space<hbm>> -> memref<128xi32, #tpu.memory_space<hbm>>
        %dma_wait3A_37 = tpu.memref_slice %arg3[%add3A_26] : memref<655488xi32, #tpu.memory_space<hbm>> -> memref<128xi32, #tpu.memory_space<hbm>>
        tpu.wait_dma2 semaphore(%run_scoped3A : memref<!tpu.dma_semaphore, #tpu.memory_space<semaphore_mem>>) src(%dma_wait3A_37 : memref<128xi32, #tpu.memory_space<hbm>>) dst(%arg6 : memref<128xi32, #tpu.memory_space<vmem>>)
        tpu.yield
      }) : () -> ()
      %mul3A_27 = arith.constant 128 : i32
      %mul3A_28 = arith.muli %add3A_23, %mul3A_27 : i32
      %add3A_29 = arith.addi %mul3A_13, %mul3A_28 : i32
      "tpu.region"() ({
        %run_scoped3A = tpu.sem_alloc : memref<!tpu.dma_semaphore, #tpu.memory_space<semaphore_mem>>
        %dma_start3A_34 = tpu.memref_slice %arg4[%add3A_29] : memref<327808xi32, #tpu.memory_space<hbm>> -> memref<128xi32, #tpu.memory_space<hbm>>
        %dma_start3A_35 = tpu.memref_slice %arg4[%add3A_29] : memref<327808xi32, #tpu.memory_space<hbm>> -> memref<128xi32, #tpu.memory_space<hbm>>
        tpu.enqueue_dma source(%dma_start3A_35 : memref<128xi32, #tpu.memory_space<hbm>>) target(%arg7 : memref<128xi32, #tpu.memory_space<vmem>>) target_semaphore(%run_scoped3A : memref<!tpu.dma_semaphore, #tpu.memory_space<semaphore_mem>>)
        %dma_wait3A_36 = tpu.memref_slice %arg4[%add3A_29] : memref<327808xi32, #tpu.memory_space<hbm>> -> memref<128xi32, #tpu.memory_space<hbm>>
        %dma_wait3A_37 = tpu.memref_slice %arg4[%add3A_29] : memref<327808xi32, #tpu.memory_space<hbm>> -> memref<128xi32, #tpu.memory_space<hbm>>
        tpu.wait_dma2 semaphore(%run_scoped3A : memref<!tpu.dma_semaphore, #tpu.memory_space<semaphore_mem>>) src(%dma_wait3A_37 : memref<128xi32, #tpu.memory_space<hbm>>) dst(%arg7 : memref<128xi32, #tpu.memory_space<vmem>>)
        tpu.yield
      }) : () -> ()
      %dma_start3A = arith.constant 0 : i32
      %dma_start3A_30 = arith.constant 0 : i32
      %dma_start3A_31 = tpu.memref_slice %arg2[%dma_start3A, %dma_start3A_30] : memref<20480x128xf32, #tpu.memory_space<hbm>> -> memref<20480x128xf32, #tpu.memory_space<hbm>>
      tpu.enqueue_indirect_dma source(%dma_start3A_31 : memref<20480x128xf32, #tpu.memory_space<hbm>>) target(%arg8 : memref<128x128xf32, #tpu.memory_space<vmem>>) offsets(%arg6 : memref<128xi32, #tpu.memory_space<vmem>>) semaphore(%arg10 : memref<!tpu.dma_semaphore, #tpu.memory_space<semaphore_mem>>)
      %dma_wait3A = arith.constant 0 : i32
      %dma_wait3A_32 = arith.constant 0 : i32
      %dma_wait3A_33 = tpu.memref_slice %arg2[%dma_wait3A, %dma_wait3A_32] : memref<20480x128xf32, #tpu.memory_space<hbm>> -> memref<20480x128xf32, #tpu.memory_space<hbm>>
      tpu.wait_indirect_dma semaphore(%arg10 : memref<!tpu.dma_semaphore, #tpu.memory_space<semaphore_mem>>) src(%dma_wait3A_33 : memref<20480x128xf32, #tpu.memory_space<hbm>>) dst(%arg8 : memref<128x128xf32, #tpu.memory_space<vmem>>)
      "tpu.region"() ({
        %run_scoped3A = tpu.sem_alloc : memref<!tpu.dma_semaphore, #tpu.memory_space<semaphore_mem>>
        %dma_start3A_34 = arith.constant 0 : i32
        %dma_start3A_35 = arith.constant 0 : i32
        %dma_start3A_36 = tpu.memref_slice %arg9[%dma_start3A_34, %dma_start3A_35] : memref<10240x128xf32, #tpu.memory_space<vmem_shared>> -> memref<10240x128xf32, #tpu.memory_space<vmem_shared>>
        tpu.enqueue_indirect_dma source(%arg8 : memref<128x128xf32, #tpu.memory_space<vmem>>) target(%dma_start3A_36 : memref<10240x128xf32, #tpu.memory_space<vmem_shared>>) offsets(%arg7 : memref<128xi32, #tpu.memory_space<vmem>>) semaphore(%run_scoped3A : memref<!tpu.dma_semaphore, #tpu.memory_space<semaphore_mem>>) {add = true}
        %dma_wait3A_37 = arith.constant 0 : i32
        %dma_wait3A_38 = arith.constant 0 : i32
        %dma_wait3A_39 = tpu.memref_slice %arg9[%dma_wait3A_37, %dma_wait3A_38] : memref<10240x128xf32, #tpu.memory_space<vmem_shared>> -> memref<10240x128xf32, #tpu.memory_space<vmem_shared>>
        tpu.wait_indirect_dma semaphore(%run_scoped3A : memref<!tpu.dma_semaphore, #tpu.memory_space<semaphore_mem>>) src(%arg8 : memref<128x128xf32, #tpu.memory_space<vmem>>) dst(%dma_wait3A_39 : memref<10240x128xf32, #tpu.memory_space<vmem_shared>>)
        tpu.yield
      }) : () -> ()
    }
    %scan3A_17 = arith.constant 160 : i32
    %barrier3A_18 = arith.constant 0 : index
    tpu.barrier barrier_id(%barrier3A_18)
    "tpu.region"() ({
      %run_scoped3A = tpu.sem_alloc : memref<!tpu.dma_semaphore, #tpu.memory_space<semaphore_mem>>
      %dma_start3A = arith.constant 0 : i32
      %dma_start3A_19 = tpu.memref_slice %arg5[%add3A, %dma_start3A] : memref<20480x128xf32, #tpu.memory_space<hbm>> -> memref<640x128xf32, #tpu.memory_space<hbm>>
      %dma_start3A_20 = arith.constant 0 : i32
      %dma_start3A_21 = tpu.memref_slice %arg9[%mul3A_0, %dma_start3A_20] : memref<10240x128xf32, #tpu.memory_space<vmem_shared>> -> memref<640x128xf32, #tpu.memory_space<vmem_shared>>
      tpu.enqueue_dma source(%dma_start3A_21 : memref<640x128xf32, #tpu.memory_space<vmem_shared>>) target(%dma_start3A_19 : memref<640x128xf32, #tpu.memory_space<hbm>>) target_semaphore(%run_scoped3A : memref<!tpu.dma_semaphore, #tpu.memory_space<semaphore_mem>>)
      %dma_wait3A = arith.constant 0 : i32
      %dma_wait3A_22 = tpu.memref_slice %arg5[%add3A, %dma_wait3A] : memref<20480x128xf32, #tpu.memory_space<hbm>> -> memref<640x128xf32, #tpu.memory_space<hbm>>
      %dma_wait3A_23 = arith.constant 0 : i32
      %dma_wait3A_24 = tpu.memref_slice %arg9[%mul3A_0, %dma_wait3A_23] : memref<10240x128xf32, #tpu.memory_space<vmem_shared>> -> memref<640x128xf32, #tpu.memory_space<vmem_shared>>
      tpu.wait_dma2 semaphore(%run_scoped3A : memref<!tpu.dma_semaphore, #tpu.memory_space<semaphore_mem>>) src(%dma_wait3A_24 : memref<640x128xf32, #tpu.memory_space<vmem_shared>>) dst(%dma_wait3A_22 : memref<640x128xf32, #tpu.memory_space<hbm>>)
      tpu.yield
    }) : () -> ()
    return
  }
}

#map = affine_map<(d0, d1) -> (0, 0)>
#map1 = affine_map<(d0, d1) -> (0)>
module attributes {stable_mosaic.version = 14 : i64} {
  func.func @_agg_kernel(%arg0: i32, %arg1: i32, %arg2: memref<20480x128xf32, #tpu.memory_space<hbm>>, %arg3: memref<655488xi32, #tpu.memory_space<hbm>>, %arg4: memref<327808xi32, #tpu.memory_space<hbm>>, %arg5: memref<20480x128xf32, #tpu.memory_space<hbm>>, %arg6: memref<128xi32, #tpu.memory_space<vmem>>, %arg7: memref<128xi32, #tpu.memory_space<vmem>>, %arg8: memref<128x128xf32, #tpu.memory_space<vmem>>, %arg9: memref<10240x128xf32, #tpu.memory_space<vmem_shared>>, %arg10: memref<!tpu.dma_semaphore, #tpu.memory_space<semaphore_mem>>) attributes {dimension_semantics = [#tpu.dimension_semantics<core_parallel>, #tpu.dimension_semantics<subcore_parallel>], iteration_bounds = array<i64: 2, 16>, scalar_prefetch = 0 : i64, scratch_operands = 5 : i64, tpu.core_type = #tpu.core_type<sc_vector_subcore>, window_params = [{transform_indices = #map}, {transform_indices = #map1}, {transform_indices = #map1}, {transform_indices = #map}]} {
    %mul3A = arith.constant 640 : i32
    %mul3A_0 = arith.muli %arg1, %mul3A : i32
    %mul3A_1 = arith.constant 10240 : i32
    %mul3A_2 = arith.muli %arg0, %mul3A_1 : i32
    %add3A = arith.addi %mul3A_2, %mul3A_0 : i32
    "tpu.region"() ({
      %run_scoped3A = tpu.sem_alloc : memref<!tpu.dma_semaphore, #tpu.memory_space<semaphore_mem>>
      %dma_start3A = arith.constant 0 : i32
      %dma_start3A_19 = tpu.memref_slice %arg9[%mul3A_0, %dma_start3A] : memref<10240x128xf32, #tpu.memory_space<vmem_shared>> -> memref<640x128xf32, #tpu.memory_space<vmem_shared>>
      %dma_start3A_20 = arith.constant 0 : i32
      %dma_start3A_21 = tpu.memref_slice %arg2[%add3A, %dma_start3A_20] : memref<20480x128xf32, #tpu.memory_space<hbm>> -> memref<640x128xf32, #tpu.memory_space<hbm>>
      tpu.enqueue_dma source(%dma_start3A_21 : memref<640x128xf32, #tpu.memory_space<hbm>>) target(%dma_start3A_19 : memref<640x128xf32, #tpu.memory_space<vmem_shared>>) target_semaphore(%run_scoped3A : memref<!tpu.dma_semaphore, #tpu.memory_space<semaphore_mem>>)
      %dma_wait3A = arith.constant 0 : i32
      %dma_wait3A_22 = tpu.memref_slice %arg9[%mul3A_0, %dma_wait3A] : memref<10240x128xf32, #tpu.memory_space<vmem_shared>> -> memref<640x128xf32, #tpu.memory_space<vmem_shared>>
      %dma_wait3A_23 = arith.constant 0 : i32
      %dma_wait3A_24 = tpu.memref_slice %arg2[%add3A, %dma_wait3A_23] : memref<20480x128xf32, #tpu.memory_space<hbm>> -> memref<640x128xf32, #tpu.memory_space<hbm>>
      tpu.wait_dma2 semaphore(%run_scoped3A : memref<!tpu.dma_semaphore, #tpu.memory_space<semaphore_mem>>) src(%dma_wait3A_24 : memref<640x128xf32, #tpu.memory_space<hbm>>) dst(%dma_wait3A_22 : memref<640x128xf32, #tpu.memory_space<vmem_shared>>)
      tpu.yield
    }) : () -> ()
    %mul3A_3 = arith.constant 16 : i32
    %mul3A_4 = arith.muli %arg0, %mul3A_3 : i32
    %add3A_5 = arith.addi %mul3A_4, %arg1 : i32
    %mul3A_6 = arith.constant 160 : i32
    %mul3A_7 = arith.muli %add3A_5, %mul3A_6 : i32
    %mul3A_8 = arith.constant 128 : i32
    %mul3A_9 = arith.muli %mul3A_7, %mul3A_8 : i32
    %mul3A_10 = arith.constant 160 : i32
    %mul3A_11 = arith.muli %arg1, %mul3A_10 : i32
    %mul3A_12 = arith.constant 128 : i32
    %mul3A_13 = arith.muli %mul3A_11, %mul3A_12 : i32
    %barrier3A = arith.constant 0 : index
    tpu.barrier barrier_id(%barrier3A)
    %scan3A = arith.constant 0 : i32
    %scan3A_14 = arith.constant 160 : i32
    %scan3A_15 = arith.addi %scan3A, %scan3A_14 : i32
    %scan3A_16 = arith.constant 1 : i32
    scf.for %scan3A_19 = %scan3A to %scan3A_15 step %scan3A_16  : i32 {
      %mul3A_20 = arith.constant 1 : i32
      %mul3A_21 = arith.muli %scan3A_19, %mul3A_20 : i32
      %add3A_22 = arith.constant 0 : i32
      %add3A_23 = arith.addi %add3A_22, %mul3A_21 : i32
      %mul3A_24 = arith.constant 128 : i32
      %mul3A_25 = arith.muli %add3A_23, %mul3A_24 : i32
      %add3A_26 = arith.addi %mul3A_9, %mul3A_25 : i32
      "tpu.region"() ({
        %run_scoped3A = tpu.sem_alloc : memref<!tpu.dma_semaphore, #tpu.memory_space<semaphore_mem>>
        %dma_start3A_34 = tpu.memref_slice %arg3[%add3A_26] : memref<655488xi32, #tpu.memory_space<hbm>> -> memref<128xi32, #tpu.memory_space<hbm>>
        %dma_start3A_35 = tpu.memref_slice %arg3[%add3A_26] : memref<655488xi32, #tpu.memory_space<hbm>> -> memref<128xi32, #tpu.memory_space<hbm>>
        tpu.enqueue_dma source(%dma_start3A_35 : memref<128xi32, #tpu.memory_space<hbm>>) target(%arg6 : memref<128xi32, #tpu.memory_space<vmem>>) target_semaphore(%run_scoped3A : memref<!tpu.dma_semaphore, #tpu.memory_space<semaphore_mem>>)
        %dma_wait3A_36 = tpu.memref_slice %arg3[%add3A_26] : memref<655488xi32, #tpu.memory_space<hbm>> -> memref<128xi32, #tpu.memory_space<hbm>>
        %dma_wait3A_37 = tpu.memref_slice %arg3[%add3A_26] : memref<655488xi32, #tpu.memory_space<hbm>> -> memref<128xi32, #tpu.memory_space<hbm>>
        tpu.wait_dma2 semaphore(%run_scoped3A : memref<!tpu.dma_semaphore, #tpu.memory_space<semaphore_mem>>) src(%dma_wait3A_37 : memref<128xi32, #tpu.memory_space<hbm>>) dst(%arg6 : memref<128xi32, #tpu.memory_space<vmem>>)
        tpu.yield
      }) : () -> ()
      %mul3A_27 = arith.constant 128 : i32
      %mul3A_28 = arith.muli %add3A_23, %mul3A_27 : i32
      %add3A_29 = arith.addi %mul3A_13, %mul3A_28 : i32
      "tpu.region"() ({
        %run_scoped3A = tpu.sem_alloc : memref<!tpu.dma_semaphore, #tpu.memory_space<semaphore_mem>>
        %dma_start3A_34 = tpu.memref_slice %arg4[%add3A_29] : memref<327808xi32, #tpu.memory_space<hbm>> -> memref<128xi32, #tpu.memory_space<hbm>>
        %dma_start3A_35 = tpu.memref_slice %arg4[%add3A_29] : memref<327808xi32, #tpu.memory_space<hbm>> -> memref<128xi32, #tpu.memory_space<hbm>>
        tpu.enqueue_dma source(%dma_start3A_35 : memref<128xi32, #tpu.memory_space<hbm>>) target(%arg7 : memref<128xi32, #tpu.memory_space<vmem>>) target_semaphore(%run_scoped3A : memref<!tpu.dma_semaphore, #tpu.memory_space<semaphore_mem>>)
        %dma_wait3A_36 = tpu.memref_slice %arg4[%add3A_29] : memref<327808xi32, #tpu.memory_space<hbm>> -> memref<128xi32, #tpu.memory_space<hbm>>
        %dma_wait3A_37 = tpu.memref_slice %arg4[%add3A_29] : memref<327808xi32, #tpu.memory_space<hbm>> -> memref<128xi32, #tpu.memory_space<hbm>>
        tpu.wait_dma2 semaphore(%run_scoped3A : memref<!tpu.dma_semaphore, #tpu.memory_space<semaphore_mem>>) src(%dma_wait3A_37 : memref<128xi32, #tpu.memory_space<hbm>>) dst(%arg7 : memref<128xi32, #tpu.memory_space<vmem>>)
        tpu.yield
      }) : () -> ()
      %dma_start3A = arith.constant 0 : i32
      %dma_start3A_30 = arith.constant 0 : i32
      %dma_start3A_31 = tpu.memref_slice %arg2[%dma_start3A, %dma_start3A_30] : memref<20480x128xf32, #tpu.memory_space<hbm>> -> memref<20480x128xf32, #tpu.memory_space<hbm>>
      tpu.enqueue_indirect_dma source(%dma_start3A_31 : memref<20480x128xf32, #tpu.memory_space<hbm>>) target(%arg8 : memref<128x128xf32, #tpu.memory_space<vmem>>) offsets(%arg6 : memref<128xi32, #tpu.memory_space<vmem>>) semaphore(%arg10 : memref<!tpu.dma_semaphore, #tpu.memory_space<semaphore_mem>>)
      %dma_wait3A = arith.constant 0 : i32
      %dma_wait3A_32 = arith.constant 0 : i32
      %dma_wait3A_33 = tpu.memref_slice %arg2[%dma_wait3A, %dma_wait3A_32] : memref<20480x128xf32, #tpu.memory_space<hbm>> -> memref<20480x128xf32, #tpu.memory_space<hbm>>
      tpu.wait_indirect_dma semaphore(%arg10 : memref<!tpu.dma_semaphore, #tpu.memory_space<semaphore_mem>>) src(%dma_wait3A_33 : memref<20480x128xf32, #tpu.memory_space<hbm>>) dst(%arg8 : memref<128x128xf32, #tpu.memory_space<vmem>>)
      "tpu.region"() ({
        %run_scoped3A = tpu.sem_alloc : memref<!tpu.dma_semaphore, #tpu.memory_space<semaphore_mem>>
        %dma_start3A_34 = arith.constant 0 : i32
        %dma_start3A_35 = arith.constant 0 : i32
        %dma_start3A_36 = tpu.memref_slice %arg9[%dma_start3A_34, %dma_start3A_35] : memref<10240x128xf32, #tpu.memory_space<vmem_shared>> -> memref<10240x128xf32, #tpu.memory_space<vmem_shared>>
        tpu.enqueue_indirect_dma source(%arg8 : memref<128x128xf32, #tpu.memory_space<vmem>>) target(%dma_start3A_36 : memref<10240x128xf32, #tpu.memory_space<vmem_shared>>) offsets(%arg7 : memref<128xi32, #tpu.memory_space<vmem>>) semaphore(%run_scoped3A : memref<!tpu.dma_semaphore, #tpu.memory_space<semaphore_mem>>) {add = true}
        %dma_wait3A_37 = arith.constant 0 : i32
        %dma_wait3A_38 = arith.constant 0 : i32
        %dma_wait3A_39 = tpu.memref_slice %arg9[%dma_wait3A_37, %dma_wait3A_38] : memref<10240x128xf32, #tpu.memory_space<vmem_shared>> -> memref<10240x128xf32, #tpu.memory_space<vmem_shared>>
        tpu.wait_indirect_dma semaphore(%run_scoped3A : memref<!tpu.dma_semaphore, #tpu.memory_space<semaphore_mem>>) src(%arg8 : memref<128x128xf32, #tpu.memory_space<vmem>>) dst(%dma_wait3A_39 : memref<10240x128xf32, #tpu.memory_space<vmem_shared>>)
        tpu.yield
      }) : () -> ()
    }
    %scan3A_17 = arith.constant 160 : i32
    %barrier3A_18 = arith.constant 0 : index
    tpu.barrier barrier_id(%barrier3A_18)
    "tpu.region"() ({
      %run_scoped3A = tpu.sem_alloc : memref<!tpu.dma_semaphore, #tpu.memory_space<semaphore_mem>>
      %dma_start3A = arith.constant 0 : i32
      %dma_start3A_19 = tpu.memref_slice %arg5[%add3A, %dma_start3A] : memref<20480x128xf32, #tpu.memory_space<hbm>> -> memref<640x128xf32, #tpu.memory_space<hbm>>
      %dma_start3A_20 = arith.constant 0 : i32
      %dma_start3A_21 = tpu.memref_slice %arg9[%mul3A_0, %dma_start3A_20] : memref<10240x128xf32, #tpu.memory_space<vmem_shared>> -> memref<640x128xf32, #tpu.memory_space<vmem_shared>>
      tpu.enqueue_dma source(%dma_start3A_21 : memref<640x128xf32, #tpu.memory_space<vmem_shared>>) target(%dma_start3A_19 : memref<640x128xf32, #tpu.memory_space<hbm>>) target_semaphore(%run_scoped3A : memref<!tpu.dma_semaphore, #tpu.memory_space<semaphore_mem>>)
      %dma_wait3A = arith.constant 0 : i32
      %dma_wait3A_22 = tpu.memref_slice %arg5[%add3A, %dma_wait3A] : memref<20480x128xf32, #tpu.memory_space<hbm>> -> memref<640x128xf32, #tpu.memory_space<hbm>>
      %dma_wait3A_23 = arith.constant 0 : i32
      %dma_wait3A_24 = tpu.memref_slice %arg9[%mul3A_0, %dma_wait3A_23] : memref<10240x128xf32, #tpu.memory_space<vmem_shared>> -> memref<640x128xf32, #tpu.memory_space<vmem_shared>>
      tpu.wait_dma2 semaphore(%run_scoped3A : memref<!tpu.dma_semaphore, #tpu.memory_space<semaphore_mem>>) src(%dma_wait3A_24 : memref<640x128xf32, #tpu.memory_space<vmem_shared>>) dst(%dma_wait3A_22 : memref<640x128xf32, #tpu.memory_space<hbm>>)
      tpu.yield
    }) : () -> ()
    return
  }
}

module attributes {stable_mosaic.version = 14 : i64} {
  func.func @_pre_body(%arg0: i32, %arg1: memref<256x128xf32, #tpu.memory_space<vmem>>, %arg2: memref<128x256xf32, #tpu.memory_space<vmem>>, %arg3: memref<256x1xf32, #tpu.memory_space<vmem>>, %arg4: memref<2x256x128xf32, #tpu.memory_space<vmem>>, %arg5: memref<256x1xf32, #tpu.memory_space<vmem>>) attributes {dimension_semantics = [#tpu.dimension_semantics<arbitrary>], iteration_bounds = array<i64: 40>, scalar_prefetch = 0 : i64, scratch_operands = 0 : i64, tpu.core_type = #tpu.core_type<tc>, window_params = [{transform_indices = @transform_0, window_bounds = array<i64: 256, 128>}, {pipeline_mode = #tpu.pipeline_mode<synchronous>, transform_indices = @transform_1, window_bounds = array<i64: 128, 256>}, {transform_indices = @transform_2, window_bounds = array<i64: 256, 1>}, {transform_indices = @transform_3, window_bounds = array<i64: 2, 256, 128>}, {transform_indices = @transform_4, window_bounds = array<i64: 256, 1>}]} {
    %get3A = arith.constant 0 : index
    %get3A_0 = arith.constant 0 : index
    %get3A_1 = vector.load %arg3[%get3A, %get3A_0] : memref<256x1xf32, #tpu.memory_space<vmem>>, vector<256x1xf32>
    %max3A = arith.constant 1.000000e+00 : f32
    %max3A_2 = vector.broadcast %max3A : f32 to vector<256x1xf32>
    %max3A_3 = arith.maximumf %get3A_1, %max3A_2 : vector<256x1xf32>
    %rsqrt3A = math.rsqrt %max3A_3 : vector<256x1xf32>
    %get3A_4 = arith.constant 0 : index
    %get3A_5 = arith.constant 0 : index
    %get3A_6 = vector.load %arg1[%get3A_4, %get3A_5] : memref<256x128xf32, #tpu.memory_space<vmem>>, vector<256x128xf32>
    %get3A_7 = arith.constant 0 : index
    %get3A_8 = arith.constant 0 : index
    %get3A_9 = vector.load %arg2[%get3A_7, %get3A_8] : memref<128x256xf32, #tpu.memory_space<vmem>>, vector<128x256xf32>
    %dot_general3A = arith.constant dense<0.000000e+00> : vector<256x256xf32>
    %dot_general3A_10 = tpu.matmul %get3A_6, %get3A_9, %dot_general3A {dimension_numbers = #tpu.dot_dimension_numbers<[1], [0], [0], [1], [0, 0, 1, 1], [], []>, transpose_lhs_hint = false} : vector<256x128xf32>, vector<128x256xf32>, vector<256x256xf32> -> vector<256x256xf32>
    %mul3A = vector.broadcast %rsqrt3A : vector<256x1xf32> to vector<256x256xf32>
    %mul3A_11 = arith.mulf %dot_general3A_10, %mul3A : vector<256x256xf32>
    %slice3A = vector.extract_strided_slice %mul3A_11 {offsets = [0, 0], sizes = [256, 128], strides = [1, 1]} : vector<256x256xf32> to vector<256x128xf32>
    %swap3A = arith.constant 0 : index
    %swap3A_12 = arith.constant 0 : index
    %swap3A_13 = arith.constant 0 : index
    %swap3A_14 = vector.load %arg4[%swap3A, %swap3A_12, %swap3A_13] : memref<2x256x128xf32, #tpu.memory_space<vmem>>, vector<1x256x128xf32>
    %swap3A_15 = vector.shape_cast %swap3A_14 : vector<1x256x128xf32> to vector<256x128xf32>
    %swap3A_16 = vector.shape_cast %slice3A : vector<256x128xf32> to vector<1x256x128xf32>
    tpu.vector_store %arg4[%swap3A, %swap3A_12, %swap3A_13], %swap3A_16 {strides = array<i32>} : memref<2x256x128xf32, #tpu.memory_space<vmem>>, vector<1x256x128xf32>,
    %slice3A_17 = vector.extract_strided_slice %mul3A_11 {offsets = [0, 128], sizes = [256, 128], strides = [1, 1]} : vector<256x256xf32> to vector<256x128xf32>
    %swap3A_18 = arith.constant 1 : index
    %swap3A_19 = arith.constant 0 : index
    %swap3A_20 = arith.constant 0 : index
    %swap3A_21 = vector.load %arg4[%swap3A_18, %swap3A_19, %swap3A_20] : memref<2x256x128xf32, #tpu.memory_space<vmem>>, vector<1x256x128xf32>
    %swap3A_22 = vector.shape_cast %swap3A_21 : vector<1x256x128xf32> to vector<256x128xf32>
    %swap3A_23 = vector.shape_cast %slice3A_17 : vector<256x128xf32> to vector<1x256x128xf32>
    tpu.vector_store %arg4[%swap3A_18, %swap3A_19, %swap3A_20], %swap3A_23 {strides = array<i32>} : memref<2x256x128xf32, #tpu.memory_space<vmem>>, vector<1x256x128xf32>,
    %swap3A_24 = arith.constant 0 : index
    %swap3A_25 = arith.constant 0 : index
    %swap3A_26 = vector.load %arg5[%swap3A_24, %swap3A_25] : memref<256x1xf32, #tpu.memory_space<vmem>>, vector<256x1xf32>
    tpu.vector_store %arg5[%swap3A_24, %swap3A_25], %rsqrt3A {strides = array<i32>} : memref<256x1xf32, #tpu.memory_space<vmem>>, vector<256x1xf32>,
    return
  }
  func.func @transform_0(%arg0: i32) -> (i32, i32) {
    %c0_i32 = arith.constant 0 : i32
    %c0_i32_0 = arith.constant 0 : i32
    return %arg0, %c0_i32 : i32, i32
  }
  func.func @transform_1(%arg0: i32) -> (i32, i32) {
    %c0_i32 = arith.constant 0 : i32
    %c0_i32_0 = arith.constant 0 : i32
    %c0_i32_1 = arith.constant 0 : i32
    return %c0_i32, %c0_i32_0 : i32, i32
  }
  func.func @transform_2(%arg0: i32) -> (i32, i32) {
    %c0_i32 = arith.constant 0 : i32
    %c0_i32_0 = arith.constant 0 : i32
    return %arg0, %c0_i32 : i32, i32
  }
  func.func @transform_3(%arg0: i32) -> (i32, i32, i32) {
    %c0_i32 = arith.constant 0 : i32
    %c0_i32_0 = arith.constant 0 : i32
    %c0_i32_1 = arith.constant 0 : i32
    return %c0_i32, %arg0, %c0_i32_0 : i32, i32, i32
  }
  func.func @transform_4(%arg0: i32) -> (i32, i32) {
    %c0_i32 = arith.constant 0 : i32
    %c0_i32_0 = arith.constant 0 : i32
    return %arg0, %c0_i32 : i32, i32
  }
}

module attributes {stable_mosaic.version = 14 : i64} {
  func.func @_mid_body(%arg0: i32, %arg1: memref<2x256x128xf32, #tpu.memory_space<vmem>>, %arg2: memref<256x1xf32, #tpu.memory_space<vmem>>, %arg3: memref<1x256xf32, #tpu.memory_space<vmem>>, %arg4: memref<256x256xf32, #tpu.memory_space<vmem>>, %arg5: memref<2x256x128xf32, #tpu.memory_space<vmem>>) attributes {dimension_semantics = [#tpu.dimension_semantics<arbitrary>], iteration_bounds = array<i64: 40>, scalar_prefetch = 0 : i64, scratch_operands = 0 : i64, tpu.core_type = #tpu.core_type<tc>, window_params = [{transform_indices = @transform_0, window_bounds = array<i64: 2, 256, 128>}, {transform_indices = @transform_1, window_bounds = array<i64: 256, 1>}, {pipeline_mode = #tpu.pipeline_mode<synchronous>, transform_indices = @transform_2, window_bounds = array<i64: 1, 256>}, {pipeline_mode = #tpu.pipeline_mode<synchronous>, transform_indices = @transform_3, window_bounds = array<i64: 256, 256>}, {transform_indices = @transform_4, window_bounds = array<i64: 2, 256, 128>}]} {
    %get3A = arith.constant 0 : index
    %get3A_0 = arith.constant 0 : index
    %get3A_1 = vector.load %arg2[%get3A, %get3A_0] : memref<256x1xf32, #tpu.memory_space<vmem>>, vector<256x1xf32>
    %get3A_2 = arith.constant 0 : index
    %get3A_3 = arith.constant 0 : index
    %get3A_4 = arith.constant 0 : index
    %get3A_5 = vector.load %arg1[%get3A_2, %get3A_3, %get3A_4] : memref<2x256x128xf32, #tpu.memory_space<vmem>>, vector<1x256x128xf32>
    %get3A_6 = vector.shape_cast %get3A_5 : vector<1x256x128xf32> to vector<256x128xf32>
    %get3A_7 = arith.constant 1 : index
    %get3A_8 = arith.constant 0 : index
    %get3A_9 = arith.constant 0 : index
    %get3A_10 = vector.load %arg1[%get3A_7, %get3A_8, %get3A_9] : memref<2x256x128xf32, #tpu.memory_space<vmem>>, vector<1x256x128xf32>
    %get3A_11 = vector.shape_cast %get3A_10 : vector<1x256x128xf32> to vector<256x128xf32>
    %concatenate3A = tpu.concatenate %get3A_6, %get3A_11 in 1 : vector<256x128xf32>, vector<256x128xf32> -> vector<256x256xf32>
    %mul3A = vector.broadcast %get3A_1 : vector<256x1xf32> to vector<256x256xf32>
    %mul3A_12 = arith.mulf %concatenate3A, %mul3A : vector<256x256xf32>
    %get3A_13 = arith.constant 0 : index
    %get3A_14 = arith.constant 0 : index
    %get3A_15 = vector.load %arg3[%get3A_13, %get3A_14] : memref<1x256xf32, #tpu.memory_space<vmem>>, vector<1x256xf32>
    %add3A = vector.broadcast %get3A_15 : vector<1x256xf32> to vector<256x256xf32>
    %add3A_16 = arith.addf %mul3A_12, %add3A : vector<256x256xf32>
    %max3A = arith.constant 0.000000e+00 : f32
    %max3A_17 = vector.broadcast %max3A : f32 to vector<256x256xf32>
    %max3A_18 = arith.maximumf %add3A_16, %max3A_17 : vector<256x256xf32>
    %get3A_19 = arith.constant 0 : index
    %get3A_20 = arith.constant 0 : index
    %get3A_21 = vector.load %arg4[%get3A_19, %get3A_20] : memref<256x256xf32, #tpu.memory_space<vmem>>, vector<256x256xf32>
    %dot_general3A = arith.constant dense<0.000000e+00> : vector<256x256xf32>
    %dot_general3A_22 = tpu.matmul %max3A_18, %get3A_21, %dot_general3A {dimension_numbers = #tpu.dot_dimension_numbers<[1], [0], [0], [1], [0, 0, 1, 1], [], []>, transpose_lhs_hint = false} : vector<256x256xf32>, vector<256x256xf32>, vector<256x256xf32> -> vector<256x256xf32>
    %mul3A_23 = vector.broadcast %get3A_1 : vector<256x1xf32> to vector<256x256xf32>
    %mul3A_24 = arith.mulf %dot_general3A_22, %mul3A_23 : vector<256x256xf32>
    %slice3A = vector.extract_strided_slice %mul3A_24 {offsets = [0, 0], sizes = [256, 128], strides = [1, 1]} : vector<256x256xf32> to vector<256x128xf32>
    %swap3A = arith.constant 0 : index
    %swap3A_25 = arith.constant 0 : index
    %swap3A_26 = arith.constant 0 : index
    %swap3A_27 = vector.load %arg5[%swap3A, %swap3A_25, %swap3A_26] : memref<2x256x128xf32, #tpu.memory_space<vmem>>, vector<1x256x128xf32>
    %swap3A_28 = vector.shape_cast %swap3A_27 : vector<1x256x128xf32> to vector<256x128xf32>
    %swap3A_29 = vector.shape_cast %slice3A : vector<256x128xf32> to vector<1x256x128xf32>
    tpu.vector_store %arg5[%swap3A, %swap3A_25, %swap3A_26], %swap3A_29 {strides = array<i32>} : memref<2x256x128xf32, #tpu.memory_space<vmem>>, vector<1x256x128xf32>,
    %slice3A_30 = vector.extract_strided_slice %mul3A_24 {offsets = [0, 128], sizes = [256, 128], strides = [1, 1]} : vector<256x256xf32> to vector<256x128xf32>
    %swap3A_31 = arith.constant 1 : index
    %swap3A_32 = arith.constant 0 : index
    %swap3A_33 = arith.constant 0 : index
    %swap3A_34 = vector.load %arg5[%swap3A_31, %swap3A_32, %swap3A_33] : memref<2x256x128xf32, #tpu.memory_space<vmem>>, vector<1x256x128xf32>
    %swap3A_35 = vector.shape_cast %swap3A_34 : vector<1x256x128xf32> to vector<256x128xf32>
    %swap3A_36 = vector.shape_cast %slice3A_30 : vector<256x128xf32> to vector<1x256x128xf32>
    tpu.vector_store %arg5[%swap3A_31, %swap3A_32, %swap3A_33], %swap3A_36 {strides = array<i32>} : memref<2x256x128xf32, #tpu.memory_space<vmem>>, vector<1x256x128xf32>,
    return
  }
  func.func @transform_0(%arg0: i32) -> (i32, i32, i32) {
    %c0_i32 = arith.constant 0 : i32
    %c0_i32_0 = arith.constant 0 : i32
    %c0_i32_1 = arith.constant 0 : i32
    return %c0_i32, %arg0, %c0_i32_0 : i32, i32, i32
  }
  func.func @transform_1(%arg0: i32) -> (i32, i32) {
    %c0_i32 = arith.constant 0 : i32
    %c0_i32_0 = arith.constant 0 : i32
    return %arg0, %c0_i32 : i32, i32
  }
  func.func @transform_2(%arg0: i32) -> (i32, i32) {
    %c0_i32 = arith.constant 0 : i32
    %c0_i32_0 = arith.constant 0 : i32
    %c0_i32_1 = arith.constant 0 : i32
    return %c0_i32, %c0_i32_0 : i32, i32
  }
  func.func @transform_3(%arg0: i32) -> (i32, i32) {
    %c0_i32 = arith.constant 0 : i32
    %c0_i32_0 = arith.constant 0 : i32
    %c0_i32_1 = arith.constant 0 : i32
    return %c0_i32, %c0_i32_0 : i32, i32
  }
  func.func @transform_4(%arg0: i32) -> (i32, i32, i32) {
    %c0_i32 = arith.constant 0 : i32
    %c0_i32_0 = arith.constant 0 : i32
    %c0_i32_1 = arith.constant 0 : i32
    return %c0_i32, %arg0, %c0_i32_0 : i32, i32, i32
  }
}

module attributes {stable_mosaic.version = 14 : i64} {
  func.func @_post_body(%arg0: i32, %arg1: memref<2x256x128xf32, #tpu.memory_space<vmem>>, %arg2: memref<256x1xf32, #tpu.memory_space<vmem>>, %arg3: memref<1x256xf32, #tpu.memory_space<vmem>>, %arg4: memref<256x128xf32, #tpu.memory_space<vmem>>, %arg5: memref<1x128xf32, #tpu.memory_space<vmem>>, %arg6: memref<256x128xf32, #tpu.memory_space<vmem>>) attributes {dimension_semantics = [#tpu.dimension_semantics<arbitrary>], iteration_bounds = array<i64: 40>, scalar_prefetch = 0 : i64, scratch_operands = 0 : i64, tpu.core_type = #tpu.core_type<tc>, window_params = [{transform_indices = @transform_0, window_bounds = array<i64: 2, 256, 128>}, {transform_indices = @transform_1, window_bounds = array<i64: 256, 1>}, {pipeline_mode = #tpu.pipeline_mode<synchronous>, transform_indices = @transform_2, window_bounds = array<i64: 1, 256>}, {pipeline_mode = #tpu.pipeline_mode<synchronous>, transform_indices = @transform_3, window_bounds = array<i64: 256, 128>}, {pipeline_mode = #tpu.pipeline_mode<synchronous>, transform_indices = @transform_4, window_bounds = array<i64: 1, 128>}, {transform_indices = @transform_5, window_bounds = array<i64: 256, 128>}]} {
    %get3A = arith.constant 0 : index
    %get3A_0 = arith.constant 0 : index
    %get3A_1 = vector.load %arg2[%get3A, %get3A_0] : memref<256x1xf32, #tpu.memory_space<vmem>>, vector<256x1xf32>
    %get3A_2 = arith.constant 0 : index
    %get3A_3 = arith.constant 0 : index
    %get3A_4 = arith.constant 0 : index
    %get3A_5 = vector.load %arg1[%get3A_2, %get3A_3, %get3A_4] : memref<2x256x128xf32, #tpu.memory_space<vmem>>, vector<1x256x128xf32>
    %get3A_6 = vector.shape_cast %get3A_5 : vector<1x256x128xf32> to vector<256x128xf32>
    %get3A_7 = arith.constant 1 : index
    %get3A_8 = arith.constant 0 : index
    %get3A_9 = arith.constant 0 : index
    %get3A_10 = vector.load %arg1[%get3A_7, %get3A_8, %get3A_9] : memref<2x256x128xf32, #tpu.memory_space<vmem>>, vector<1x256x128xf32>
    %get3A_11 = vector.shape_cast %get3A_10 : vector<1x256x128xf32> to vector<256x128xf32>
    %concatenate3A = tpu.concatenate %get3A_6, %get3A_11 in 1 : vector<256x128xf32>, vector<256x128xf32> -> vector<256x256xf32>
    %mul3A = vector.broadcast %get3A_1 : vector<256x1xf32> to vector<256x256xf32>
    %mul3A_12 = arith.mulf %concatenate3A, %mul3A : vector<256x256xf32>
    %get3A_13 = arith.constant 0 : index
    %get3A_14 = arith.constant 0 : index
    %get3A_15 = vector.load %arg3[%get3A_13, %get3A_14] : memref<1x256xf32, #tpu.memory_space<vmem>>, vector<1x256xf32>
    %add3A = vector.broadcast %get3A_15 : vector<1x256xf32> to vector<256x256xf32>
    %add3A_16 = arith.addf %mul3A_12, %add3A : vector<256x256xf32>
    %max3A = arith.constant 0.000000e+00 : f32
    %max3A_17 = vector.broadcast %max3A : f32 to vector<256x256xf32>
    %max3A_18 = arith.maximumf %add3A_16, %max3A_17 : vector<256x256xf32>
    %get3A_19 = arith.constant 0 : index
    %get3A_20 = arith.constant 0 : index
    %get3A_21 = vector.load %arg4[%get3A_19, %get3A_20] : memref<256x128xf32, #tpu.memory_space<vmem>>, vector<256x128xf32>
    %dot_general3A = arith.constant dense<0.000000e+00> : vector<256x128xf32>
    %dot_general3A_22 = tpu.matmul %max3A_18, %get3A_21, %dot_general3A {dimension_numbers = #tpu.dot_dimension_numbers<[1], [0], [0], [1], [0, 0, 1, 1], [], []>, transpose_lhs_hint = false} : vector<256x256xf32>, vector<256x128xf32>, vector<256x128xf32> -> vector<256x128xf32>
    %get3A_23 = arith.constant 0 : index
    %get3A_24 = arith.constant 0 : index
    %get3A_25 = vector.load %arg5[%get3A_23, %get3A_24] : memref<1x128xf32, #tpu.memory_space<vmem>>, vector<1x128xf32>
    %add3A_26 = vector.broadcast %get3A_25 : vector<1x128xf32> to vector<256x128xf32>
    %add3A_27 = arith.addf %dot_general3A_22, %add3A_26 : vector<256x128xf32>
    %swap3A = arith.constant 0 : index
    %swap3A_28 = arith.constant 0 : index
    %swap3A_29 = vector.load %arg6[%swap3A, %swap3A_28] : memref<256x128xf32, #tpu.memory_space<vmem>>, vector<256x128xf32>
    tpu.vector_store %arg6[%swap3A, %swap3A_28], %add3A_27 {strides = array<i32>} : memref<256x128xf32, #tpu.memory_space<vmem>>, vector<256x128xf32>,
    return
  }
  func.func @transform_0(%arg0: i32) -> (i32, i32, i32) {
    %c0_i32 = arith.constant 0 : i32
    %c0_i32_0 = arith.constant 0 : i32
    %c0_i32_1 = arith.constant 0 : i32
    return %c0_i32, %arg0, %c0_i32_0 : i32, i32, i32
  }
  func.func @transform_1(%arg0: i32) -> (i32, i32) {
    %c0_i32 = arith.constant 0 : i32
    %c0_i32_0 = arith.constant 0 : i32
    return %arg0, %c0_i32 : i32, i32
  }
  func.func @transform_2(%arg0: i32) -> (i32, i32) {
    %c0_i32 = arith.constant 0 : i32
    %c0_i32_0 = arith.constant 0 : i32
    %c0_i32_1 = arith.constant 0 : i32
    return %c0_i32, %c0_i32_0 : i32, i32
  }
  func.func @transform_3(%arg0: i32) -> (i32, i32) {
    %c0_i32 = arith.constant 0 : i32
    %c0_i32_0 = arith.constant 0 : i32
    %c0_i32_1 = arith.constant 0 : i32
    return %c0_i32, %c0_i32_0 : i32, i32
  }
  func.func @transform_4(%arg0: i32) -> (i32, i32) {
    %c0_i32 = arith.constant 0 : i32
    %c0_i32_0 = arith.constant 0 : i32
    %c0_i32_1 = arith.constant 0 : i32
    return %c0_i32, %c0_i32_0 : i32, i32
  }
  func.func @transform_5(%arg0: i32) -> (i32, i32) {
    %c0_i32 = arith.constant 0 : i32
    %c0_i32_0 = arith.constant 0 : i32
    return %arg0, %c0_i32 : i32, i32
  }
}

</mosaic_0001>

<sc_bundles>
// kernel: kernel.11.cloned.1.call-start
scs
__scs_entry_jumppad:
0x0: {  	(pc) =	sbr.rel $0x88, $3  }
0x1: {  	(tag) =	ssettag $0x0;
	lr =	simm.s32 $0x1  }
0x2: {  	[smem:$0x3F99] =	sst lr;
	_ =	strace $0xD0000000  }
0x3: {  	_ = 	snop  }
0x4: {  	_ = 	snop  }
0x5: {  	_ = 	snop  }
0x6: {  	_ = 	snop  }
0x7: {  	_ = 	snop  }
__scs_overlays_trampoline_lowered:
0x8: {  	[smem:$0x3FA8] =	sst s0  }
0x9: {  	[smem:$0x3FA9] =	sst s1  }
0xa: {  	[smem:$0x3FAA] =	sst s2  }
0xb: {  	[smem:$0x3FAB] =	sst s3  }
0xc: {  	[smem:$0x3FAC] =	sst s4  }
0xd: {  	[smem:$0x3FAD] =	sst s5  }
0xe: {  	[smem:$0x3FAE] =	sst s6  }
0xf: {  	[smem:$0x3FAF] =	sst s7  }
0x10: {  	[smem:$0x3FB0] =	sst s8  }
0x11: {  	[smem:$0x3FB1] =	sst s9;
	s0 =	simm.s32 @!p0 $0x0  }
0x12: {  	s1 =	sld [smem:$0x3F97];
	s0 =	simm.s32 @p0 $0x1  }
0x13: {  	[smem:$0x3FB2] =	sst s0;
	s0 =	simm.s32 @!p1 $0x0  }
0x14: {  	s2 =	sld [smem:$0x3F96];
	s0 =	simm.s32 @p1 $0x1  }
0x15: {  	[smem:$0x3FB3] =	sst s0;
	s0 =	simm.s32 @!p2 $0x0  }
0x16: {  	s3 =	sld [smem:$0x3FDB];
	s0 =	simm.s32 @p2 $0x1  }
0x17: {  	s4 =	simm.s32 $0x1BF5;
	[smem:$0x3FB5] =	sst s0  }
0x18: {  	s0 =	sld [smem:$0x3F98];
	_ =	swait.ge [sflag:s4], $0x0  }
0x19: {  	s7 =	sld [smem:$0x3F99]  }
0x1a: {  	s8 =	sadd.s32 $0xFFFFE003, lr  }
0x1b: {  	s9 =	sadd.s32 $0xFFFFFEF7, lr;
	s5 =	simm.s32 $0xFFFFFFFF;
	p2 =	slt.u32 s8, $0xFFFFF086  }
0x1c: {  	p1 =	slt.u32 s9, $0xF7A;
	s5 =	simm.s32 @!p2 $0x0  }
0x1d: {  	s5 =	simm.s32 @p1 $0x1;
	p0 =	seq.s32 s7, s2  }
0x1e: {  	s7 =	smul.u32 @!p0 $0xF7A, s2;
	p2 =	seq.s32 @!p0 s5, $0x0  }
0x1f: {  	s9 =	smul.u32 $0xF7A, s1;
	s8 =	simm.s32 @!p0 $0x1BF5;
	p2 =	por !p2, p0  }
0x20: {  	[sflag:s8] =	ssyncset.s32 @!p0 $0xFFFFF086;
	s6 =	sadd.s32 @!p0 s3, s7;
	s7 =	simm.s32 @!p0 $0x108  }
0x21: {  	s3 =	sadd.s32 s3, s9;
	s6 =	sadd.s32 @!p0 $0x88, s6;
	s7 =	simm.s32 @p2 $0x1082  }
0x22: {  	[simem:s7], [sflag:s8] =	dma.local @!p0 [hbm:s6], $0xF7A  }
0x23: {  	s9 =	sor.u32 $0xD0000000, s2;
	s6 =	simm.s32 $0x108;
	_ =	swait.ge @!p0 [sflag:s8], $0x0  }
0x24: {  	s3 =	sadd.s32 $0x88, s3;
	s6 =	simm.s32 @!p1 $0x1082;
	[sflag:s4] =	ssyncset.s32 $0xFFFFF086  }
0x25: {  	[simem:s6], [sflag:s4] =	dma.local [hbm:s3], $0xF7A  }
0x26: {  	[smem:$0x3F99] =	sst s1;
	(tag) =	ssettag s2;
	_ =	strace s9  }
0x27: {  	s1 =	sld [smem:$0x3FA9]  }
0x28: {  	s2 =	sld [smem:$0x3FAA]  }
0x29: {  	s4 =	sld [smem:$0x3FAC]  }
0x2a: {  	p0 =	seq.s32 s5, $0x0;
	s5 =	sld [smem:$0x3FAD]  }
0x2b: {  	s6 =	sld [smem:$0x3FAE]  }
0x2c: {  	s7 =	sld [smem:$0x3FAF]  }
0x2d: {  	s3 =	simm.s32 $0x108;
	s8 =	sld [smem:$0x3FB0]  }
0x2e: {  	s3 =	simm.s32 @!p0 $0x1082;
	s9 =	sld [smem:$0x3FB1]  }
0x2f: {  	lr =	sadd.s32 s0, s3;
	s0 =	sld [smem:$0x3FA8]  }
0x30: {  	s3 =	sld [smem:$0x3FAB]  }
0x31: {  	[smem:$0x3FB4] =	sst s10  }
0x32: {  	s10 =	sld [smem:$0x3FB2];
	_ =	sdelay $0x3  }
0x33: {  	p0 =	seq.s32 s10, $0x1;
	s10 =	sld [smem:$0x3FB4];
	_ =	sdelay $0x3  }
0x34: {  	[smem:$0x3FB4] =	sst s10  }
0x35: {  	s10 =	sld [smem:$0x3FB3];
	_ =	sdelay $0x3  }
0x36: {  	p1 =	seq.s32 s10, $0x1;
	s10 =	sld [smem:$0x3FB4];
	_ =	sdelay $0x3  }
0x37: {  	[smem:$0x3FB4] =	sst s10  }
0x38: {  	s10 =	sld [smem:$0x3FB5]  }
0x39: {  	_ = 	snop;
	(pc) =	sbr.ind lr, $3  }
0x3a: {  	_ = 	snop  }
0x3b: {  	_ = 	snop  }
0x3c: {  	p2 =	seq.s32 s10, $0x1;
	s10 =	sld [smem:$0x3FB4]  }
0x3d: {  	_ =	shalt  }
0x3e: {  	_ =	shalt  }
0x3f: {  	_ =	shalt  }
0x40: {  	_ =	shalt  }
0x41: {  	_ =	shalt  }
0x42: {  	_ =	shalt  }
0x43: {  	_ =	shalt  }
0x44: {  	_ =	shalt  }
0x45: {  	_ =	shalt  }
0x46: {  	_ =	shalt  }
0x47: {  	_ =	shalt  }
0x48: {  	_ =	shalt  }
0x49: {  	_ =	shalt  }
0x4a: {  	_ =	shalt  }
0x4b: {  	_ =	shalt  }
0x4c: {  	_ =	shalt  }
0x4d: {  	_ =	shalt  }
0x4e: {  	_ =	shalt  }
0x4f: {  	_ =	shalt  }
0x50: {  	_ =	shalt  }
0x51: {  	_ =	shalt  }
0x52: {  	_ =	shalt  }
0x53: {  	_ =	shalt  }
0x54: {  	_ =	shalt  }
0x55: {  	_ =	shalt  }
0x56: {  	_ =	shalt  }
0x57: {  	_ =	shalt  }
0x58: {  	_ =	shalt  }
0x59: {  	_ =	shalt  }
0x5a: {  	_ =	shalt  }
0x5b: {  	_ =	shalt  }
0x5c: {  	_ =	shalt  }
0x5d: {  	_ =	shalt  }
0x5e: {  	_ =	shalt  }
0x5f: {  	_ =	shalt  }
0x60: {  	_ =	shalt  }
0x61: {  	_ =	shalt  }
0x62: {  	_ =	shalt  }
0x63: {  	_ =	shalt  }
0x64: {  	_ =	shalt  }
0x65: {  	_ =	shalt  }
0x66: {  	_ =	shalt  }
0x67: {  	_ =	shalt  }
0x68: {  	_ =	shalt  }
0x69: {  	_ =	shalt  }
0x6a: {  	_ =	shalt  }
0x6b: {  	_ =	shalt  }
0x6c: {  	_ =	shalt  }
0x6d: {  	_ =	shalt  }
0x6e: {  	_ =	shalt  }
0x6f: {  	_ =	shalt  }
0x70: {  	_ =	shalt  }
0x71: {  	_ =	shalt  }
0x72: {  	_ =	shalt  }
0x73: {  	_ =	shalt  }
0x74: {  	_ =	shalt  }
0x75: {  	_ =	shalt  }
0x76: {  	_ =	shalt  }
0x77: {  	_ =	shalt  }
0x78: {  	_ =	shalt  }
0x79: {  	_ =	shalt  }
0x7a: {  	_ =	shalt  }
0x7b: {  	_ =	shalt  }
0x7c: {  	_ =	shalt  }
0x7d: {  	_ =	shalt  }
0x7e: {  	_ =	shalt  }
0x7f: {  	_ =	shalt  }
0x80: {  	_ =	shalt  }
0x81: {  	_ =	shalt  }
0x82: {  	_ =	shalt  }
0x83: {  	_ =	shalt  }
0x84: {  	_ =	shalt  }
0x85: {  	_ =	shalt  }
0x86: {  	_ =	shalt  }
0x87: {  	_ =	shalt  }
.Lfunc_end0:
.L_simem_size_0:
called_computation.1_lowered:
.L_overlay_start_0:
0x88: {  	s2 =	sld [smem:$0x3FD9]  }
0x89: {  	s3 =	sld [smem:$0x3FFE];
	_ =	sdelay $0x1  }
0x8a: {  	s1 =	srdreg.scid  }
0x8b: {  	s0 =	sand.u32 $0x1, s1  }
0x8c: {  	s17 =	sshll.u32 s0, $0xA;
	s2 =	sadd.s32 s3, s2  }
0x8d: {  	s2 =	sadd.s32 s2, s17  }
0x8e: {  	[smem:$0x3FC0] =	sst s2  }
0x8f: {  	_ = 	snop  }
0x90: {  	s2 =	sld [smem:$0x3FD0];
	(tm) =	ssettm $0x1  }
0x91: {  	s18 =	sld [smem:$0x3FFB];
	_ =	sdelay $0x3  }
0x92: {  	_ =	strace s18  }
0x93: {  	s3 =	sld [smem:$0x3FFC];
	_ =	sdelay $0x3  }
0x94: {  	_ =	strace s3  }
0x95: {  	s3 =	sld [smem:$0x3FFD];
	_ =	sdelay $0x3  }
0x96: {  	_ =	strace s3  }
0x97: {  	_ =	strace $0x8FFFFFFF  }
0x98: {  	s19 =	sld [smem:$0x3FDB];
	_ =	sdelay $0x1  }
0x99: {  	s4 =	simm.s32 $_scs_section_size  }
0x9a: {  	s5 =	simm.s32 $_size__tile_overlayer_lowered;
	s6 =	simm.s32 $_tile_overlayer_lowered  }
0x9b: {  	s22 =	simm.s32 $0x1BFF;
	s21 =	sshll.u32 s6, $0x1;
	s3 =	sadd.s32 s4, s19  }
0x9c: {  	s7 =	simm.s32 $0x0;
	s20 =	sshll.u32 s5, $0x1;
	s5 =	sadd.s32 s21, s3  }
0x9d: {  	[timem:s7], [sflag:s22] =	dma.local [hbm:s5], s20  }
0x9e: {  	_ =	swait.ge [sflag:s22], s20  }
0x9f: {  	s4 =	ssub.s32 $0x0, s20;
	[sflag:s22] =	ssyncset.done $0x0  }
0xa0: {  	[sflag:s22] =	ssyncadd.s32 s4;
	_ =	sdelay $0x1  }
0xa1: {  	s23 =	simm.s32 $0x1B8B  }
0xa2: {  	_ =	swait.ge [sflag:s23], $0x1  }
0xa3: {  	[sflag:s23] =	ssyncset.done $0x0  }
0xa4: {  	s25 =	simm.s32 $0x1B8E;
	s24 =	sld [smem:$0x3FFE];
	[sflag:s23] =	ssyncadd.s32 $0xFFFFFFFF  }
0xa5: {  	s26 =	simm.s32 $execute0_lowered;
	[smem:$0x3FD2] =	sst s25  }
0xa6: {  	s5 =	sshll.u32 s26, $0x1;
	_ =	strace $0x80000049;
	[dreg:$0x1] =	wrdreg $0xFFFFFFFF  }
0xa7: {  	s28 =	simm.s32 $_size_execute0_lowered;
	s3 =	sadd.s32 s3, s5;
	[dreg:$0x0] =	wrdreg $0x0  }
0xa8: {  	s5 =	sshll.u32 s28, $0x1;
	[dreg:$0x2] =	wrdreg s3  }
0xa9: {  	[dreg:$0x3] =	wrdreg s5  }
0xaa: {  	[dreg:$0x4] =	wrdreg $0xC0  }
0xab: {  	_ =	task [dreg:s7], $0x5FFFF  }
0xac: {  	[dreg:$0x1] =	wrdreg $0xFFFFFFFF  }
0xad: {  	[dreg:$0x0] =	wrdreg $0x60  }
0xae: {  	[dreg:$0x2] =	wrdreg s24  }
0xaf: {  	[dreg:$0x3] =	wrdreg s2  }
0xb0: {  	[dreg:$0x4] =	wrdreg $0x41000  }
0xb1: {  	[dreg:$0x5] =	wrdreg $0x9  }
0xb2: {  	_ =	task.clear_ibuf [dreg:s7], $0x6FFFF;
	_ =	strace $0x90000049  }
0xb3: {  	s29 =	simm.s32 $0x9;
	_ =	strace $0x8000004B  }
0xb4: {  	_ =	swait.ge [sflag:s29], $0x1  }
0xb5: {  	[sflag:s29] =	ssyncadd.s32 $0xFFFFFFFF  }
0xb6: {  	_ =	strace $0x9000004B  }
0xb7: {  	_ =	sfence  }
0xb8: {  	s30 =	sld [smem:$0x0];
	_ =	sdelay $0x2  }
0xb9: {  	s31 =	sshll.u32 s1, $0xD;
	s1 =	sshrl.u32 s1, $0x2  }
0xba: {  	s3 =	sand.u32 $0x4000, s31;
	s1 =	sadd.s32 s1, s30  }
0xbb: {  	s0 =	sor.u32 s3, s0;
	s1 =	sshll.u32 s1, $0x11  }
0xbc: {  	s0 =	sor.u32 s1, s0  }
0xbd: {  	s0 =	sadd.s32 $0x8F2B, s0  }
0xbe: {  	[sflag:s0] =	ssyncadd.remote.s32 $0x1  }
0xbf: {  	_ =	sfence.sel $0xFFFF  }
0xc0: {  	[dreg:$0x0] =	wrdreg $0xFFFFFFFF;
	(pc) =	sbr.abs _section_cstart, $3  }
0xc1: {  	[dreg:$0x1] =	wrdreg $0xFFFFFFFF  }
0xc2: {  	_ =	task.clear_ibuf [dreg:s7], $0x2FFFF;
	_ =	strace $0x9FFFFFFF  }
0xc3: {  	(tm) =	ssettm $0x7FFFFFFF  }
tec
execute0_lowered:
.L_overlay_start_1:
0x0: {  	(tag) =	ssettag $0x1  }
0x1: {  	s5 =	rddreg [dreg:$0x0]  }
0x2: {  	s1 =	srdreg.scid;
	s0 =	stileid.u32  }
0x3: {  	s10 =	rddreg [dreg:$0x1];
	s4 =	smul.u32 $0x5000, s0  }
0x4: {  	s2 =	rddreg [dreg:$0x2];
	s3 =	simm.s32 $0x0;
	s9 =	smul.u32 $0x280, s0  }
0x5: {  	s15 =	simm.s32 $0x1;
	s16 =	simm.s32 $0x0;
	s26 =	smul.u32 $0x50000, s0  }
0x6: {  	s6 =	sand.u32 $0x1, s1;
	s1 =	rddreg [dreg:$0x3];
	s14 =	smul.u32 $0xA00, s0  }
0x7: {  	[smem:$0x7FF] =	sst s3;
	s31 =	sshll.u32 s0, $0x6;
	s7 =	smul.u32 $0x50000, s6  }
0x8: {  	s8 =	smul.u32 $0x2800, s6;
	_ =	strace $0x8000004A;
	s6 =	ssub.s32 $0x2, s6  }
0x9: {  	s29 =	sshrl.u32 s6, $0x1;
	s30 =	sshrl.u32 s26, $0x2;
	s10 =	sadd.s32 s14, s10  }
0xa: {  	s14 =	simm.s32 $0x100;
	s7 =	sadd.s32 s4, s7;
	s4 =	sadd.s32 $0x1E00, s5  }
0xb: {  	s8 =	sadd.s32 s9, s8;
	s13 =	sadd.s32 s30, s2;
	s7 =	sshrl.u32 s7, $0x3  }
0xc: {  	s28 =	sshll.u32 s8, $0x4;
	s8 =	ssub.s32 s6, s29;
	s6 =	sor.u32 $0x1C02, s31  }
0xd: {  	s11 =	sadd.s32 s7, s5;
	s12 =	sadd.s32 s28, s5;
	s5 =	sadd.s32 s4, s28  }
0xe: {  	s8 =	smax.u32 s8, $0x1;
	s7 =	sadd.s32 $0x67000, s12;
	s9 =	sadd.s32 $0x52E00, s11  }
0xf: {  	s11 =	sshrl.u32 s13, $0x3;
	s12 =	simm.s32 $0x2;
	s13 =	simm.s32 $0x80  }
.LBB2_1:
0x10: {  	[spmem:s11], [sflag:s6] =	dma.local [hbm:s5], $0x2800  }
0x11: {  	_ =	swait.ge [sflag:s12], $0x2800  }
0x12: {  	[sflag:s12] =	ssyncset.done $0x0  }
0x13: {  	[sflag:s12] =	ssyncadd.s32 $0xFFFFD800  }
0x14: {  	s17 =	sadd.s32 $0x0, s9;
	[bflag:$0x0] =	sbarrier.arrive $0xFFFF  }
0x15: {  	[tilespmem:s3], [sflag:$0x2] =	stream.linear.gather [hbm4b:s17+s3], $0x80, $0x38;
	[tilespmem:$0x18100] =	vst v63  }
0x16: {  	_ =	swait.ge [sflag:s12], $0x80  }
0x17: {  	[sflag:s12] =	ssyncset.done $0x0  }
0x18: {  	s31 =	sadd.s32 $0x0, s10;
	[sflag:s12] =	ssyncadd.s32 $0xFFFFFF80  }
0x19: {  	[tilespmem:s13], [sflag:$0x2] =	stream.linear.gather [hbm4b:s31+s3], $0x80, $0x38;
	[tilespmem:$0x18100] =	vst v63  }
0x1a: {  	_ =	swait.ge [sflag:s12], $0x80  }
0x1b: {  	[sflag:s12] =	ssyncset.done $0x0  }
0x1c: {  	[sflag:s12] =	ssyncadd.s32 $0xFFFFFF80  }
0x1d: {  	[tilespmem:s14], [sflag:$0x1] =	stream.indirect.gather [hbm4b:s4+s13], $0x80, s3, s13, $0xb8;
	[tilespmem:$0x18100] =	vst v63  }
0x1e: {  	_ =	swait.ge [sflag:s15], $0x4000  }
0x1f: {  	[sflag:s15] =	ssyncset.done $0x0  }
0x20: {  	[sflag:s15] =	ssyncadd.s32 $0xFFFFC000  }
0x21: {  	[spmem:s2] =	stream.indirect.scatter.add.f32 [tilespmem:s14], [sflag:$0x2], $0x80, s13, s13, $0xb8;
	[tilespmem:$0x18100] =	vst v63  }
0x22: {  	_ =	swait.ge [sflag:s12], $0x4000  }
0x23: {  	s18 =	simm.s32 $0x20;
	s17 =	simm.s32 $0x10;
	[sflag:s12] =	ssyncset.done $0x0  }
.LBB2_2:
0x24: {  	s19 =	sadd.s32 s17, s9  }
0x25: {  	[sflag:s12] =	ssyncadd.s32 $0xFFFFC000;
	s20 =	smov.u32 s18;
	s21 =	sadd.s32 $0x10, s18  }
0x26: {  	[tilespmem:s3], [sflag:$0x2] =	stream.linear.gather [hbm4b:s19+s3], $0x80, $0x38;
	[tilespmem:$0x18100] =	vst v63  }
0x27: {  	p0 =	sne.s32 s18, $0x9F0;
	_ =	swait.ge [sflag:s12], $0x80  }
0x28: {  	[sflag:s12] =	ssyncset.done $0x0  }
0x29: {  	s18 =	sadd.s32 s17, s10;
	s17 =	smov.u32 s20;
	[sflag:s12] =	ssyncadd.s32 $0xFFFFFF80  }
0x2a: {  	[tilespmem:s13], [sflag:$0x2] =	stream.linear.gather [hbm4b:s18+s3], $0x80, $0x38;
	[tilespmem:$0x18100] =	vst v63  }
0x2b: {  	_ =	swait.ge [sflag:s12], $0x80  }
0x2c: {  	[sflag:s12] =	ssyncset.done $0x0  }
0x2d: {  	[sflag:s12] =	ssyncadd.s32 $0xFFFFFF80  }
0x2e: {  	[tilespmem:s14], [sflag:$0x1] =	stream.indirect.gather [hbm4b:s4+s13], $0x80, s3, s13, $0xb8;
	[tilespmem:$0x18100] =	vst v63  }
0x2f: {  	_ =	swait.ge [sflag:s15], $0x4000  }
.Ltmp0:
0x30: {  	[sflag:s15] =	ssyncset.done $0x0;
	(pc) =	sbr.rel @p0 .LBB2_2-.Ltmp0, $4  }
0x31: {  	[sflag:s15] =	ssyncadd.s32 $0xFFFFC000  }
0x32: {  	[spmem:s2] =	stream.indirect.scatter.add.f32 [tilespmem:s14], [sflag:$0x2], $0x80, s13, s13, $0xb8;
	[tilespmem:$0x18100] =	vst v63  }
0x33: {  	_ =	swait.ge [sflag:s12], $0x4000  }
0x34: {  	s18 =	smov.u32 s21;
	[sflag:s12] =	ssyncset.done $0x0  }
0x35: {  	s18 =	sadd.s32 s17, s9;
	[sflag:s12] =	ssyncadd.s32 $0xFFFFC000  }
0x36: {  	[tilespmem:s3], [sflag:$0x2] =	stream.linear.gather [hbm4b:s18+s3], $0x80, $0x38;
	[tilespmem:$0x18100] =	vst v63  }
0x37: {  	_ =	swait.ge [sflag:s12], $0x80  }
0x38: {  	[sflag:s12] =	ssyncset.done $0x0  }
0x39: {  	s31 =	sadd.s32 s17, s10;
	[sflag:s12] =	ssyncadd.s32 $0xFFFFFF80  }
0x3a: {  	[tilespmem:s13], [sflag:$0x2] =	stream.linear.gather [hbm4b:s31+s3], $0x80, $0x38;
	[tilespmem:$0x18100] =	vst v63  }
0x3b: {  	_ =	swait.ge [sflag:s12], $0x80  }
0x3c: {  	[sflag:s12] =	ssyncset.done $0x0  }
0x3d: {  	[sflag:s12] =	ssyncadd.s32 $0xFFFFFF80  }
0x3e: {  	[tilespmem:s14], [sflag:$0x1] =	stream.indirect.gather [hbm4b:s4+s13], $0x80, s3, s13, $0xb8;
	[tilespmem:$0x18100] =	vst v63  }
0x3f: {  	_ =	swait.ge [sflag:s15], $0x4000  }
0x40: {  	[sflag:s15] =	ssyncset.done $0x0  }
0x41: {  	[sflag:s15] =	ssyncadd.s32 $0xFFFFC000  }
0x42: {  	[spmem:s2] =	stream.indirect.scatter.add.f32 [tilespmem:s14], [sflag:$0x2], $0x80, s13, s13, $0xb8;
	[tilespmem:$0x18100] =	vst v63  }
0x43: {  	_ =	swait.ge [sflag:s12], $0x4000  }
0x44: {  	s16 =	sadd.s32 $0x1, s16;
	[sflag:s12] =	ssyncset.done $0x0  }
0x45: {  	p0 =	sne.s32 s16, s8;
	[sflag:s12] =	ssyncadd.s32 $0xFFFFC000  }
.Ltmp1:
0x46: {  	[bflag:$0x0] =	sbarrier.arrive $0xFFFF;
	(pc) =	sbr.rel @p0 .LBB2_1-.Ltmp1, $4  }
0x47: {  	[hbm:s7], [sflag:s6] =	dma.local [spmem:s11], $0x2800  }
0x48: {  	_ =	swait.ge [sflag:s12], $0x2800  }
0x49: {  	[sflag:s12] =	ssyncset.done $0x0  }
0x4a: {  	[sflag:s12] =	ssyncadd.s32 $0xFFFFD800  }
0x4b: {  	_ =	sfence.sel $0x180000  }
0x4c: {  	[bflag:$0x0] =	sbarrier.arrive $0xFFFF  }
0x4d: {  	p0 =	sne.s32 s0, $0x0;
	_ =	strace $0x9000004A  }
0x4e: {  	s0 =	sadd.s32 @!p0 $0x100000, s1;
	[bflag:$0x2] =	sbarrier.arrive $0xFFFF  }
0x4f: {  	[sflag:s0] =	ssyncadd.tile.s32 @!p0 $0x1;
	_ =	shalt  }
.Lfunc_end2:
_tile_overlayer_lowered:
.L_overlay_start_2:
0x50: {  	(tag) =	ssettag $0x2  }
0x51: {  	s0 =	rddreg [dreg:$0x0];
	s2 =	stileid.u32  }
0x52: {  	s1 =	rddreg [dreg:$0x1];
	p0 =	sne.s32 s2, $0x0  }
0x53: {  	s3 =	rddreg [dreg:$0x2];
	[bflag:$0x3] =	sbarrier.arrive $0xFFFF;
	s2 =	simm.s32 @!p0 $0x1C02  }
0x54: {  	[timem:s3], [sflag:s2] =	dma.local @!p0 [hbm:s0], s1  }
0x55: {  	s0 =	simm.s32 @!p0 $0x2  }
0x56: {  	_ =	swait.ge @!p0 [sflag:s0], s1  }
0x57: {  	s1 =	ssub.s32 @!p0 $0x0, s1;
	[sflag:s0] =	ssyncset.done @!p0 $0x0  }
0x58: {  	[sflag:s0] =	ssyncadd.s32 @!p0 s1  }
0x59: {  	[bflag:$0x3] =	sbarrier.arrive $0xFFFF  }
0x5a: {  	_ =	shalt  }

// kernel: kernel.14.cloned.1.call-start
scs
__scs_entry_jumppad:
0x0: {  	(pc) =	sbr.rel $0x88, $3  }
0x1: {  	(tag) =	ssettag $0x0;
	lr =	simm.s32 $0x1  }
0x2: {  	[smem:$0x3F99] =	sst lr;
	_ =	strace $0xD0000000  }
0x3: {  	_ = 	snop  }
0x4: {  	_ = 	snop  }
0x5: {  	_ = 	snop  }
0x6: {  	_ = 	snop  }
0x7: {  	_ = 	snop  }
__scs_overlays_trampoline_lowered:
0x8: {  	[smem:$0x3FA8] =	sst s0  }
0x9: {  	[smem:$0x3FA9] =	sst s1  }
0xa: {  	[smem:$0x3FAA] =	sst s2  }
0xb: {  	[smem:$0x3FAB] =	sst s3  }
0xc: {  	[smem:$0x3FAC] =	sst s4  }
0xd: {  	[smem:$0x3FAD] =	sst s5  }
0xe: {  	[smem:$0x3FAE] =	sst s6  }
0xf: {  	[smem:$0x3FAF] =	sst s7  }
0x10: {  	[smem:$0x3FB0] =	sst s8  }
0x11: {  	[smem:$0x3FB1] =	sst s9;
	s0 =	simm.s32 @!p0 $0x0  }
0x12: {  	s1 =	sld [smem:$0x3F97];
	s0 =	simm.s32 @p0 $0x1  }
0x13: {  	[smem:$0x3FB2] =	sst s0;
	s0 =	simm.s32 @!p1 $0x0  }
0x14: {  	s2 =	sld [smem:$0x3F96];
	s0 =	simm.s32 @p1 $0x1  }
0x15: {  	[smem:$0x3FB3] =	sst s0;
	s0 =	simm.s32 @!p2 $0x0  }
0x16: {  	s3 =	sld [smem:$0x3FDB];
	s0 =	simm.s32 @p2 $0x1  }
0x17: {  	s4 =	simm.s32 $0x1BF5;
	[smem:$0x3FB5] =	sst s0  }
0x18: {  	s0 =	sld [smem:$0x3F98];
	_ =	swait.ge [sflag:s4], $0x0  }
0x19: {  	s7 =	sld [smem:$0x3F99]  }
0x1a: {  	s8 =	sadd.s32 $0xFFFFE003, lr  }
0x1b: {  	s9 =	sadd.s32 $0xFFFFFEF7, lr;
	s5 =	simm.s32 $0xFFFFFFFF;
	p2 =	slt.u32 s8, $0xFFFFF086  }
0x1c: {  	p1 =	slt.u32 s9, $0xF7A;
	s5 =	simm.s32 @!p2 $0x0  }
0x1d: {  	s5 =	simm.s32 @p1 $0x1;
	p0 =	seq.s32 s7, s2  }
0x1e: {  	s7 =	smul.u32 @!p0 $0xF7A, s2;
	p2 =	seq.s32 @!p0 s5, $0x0  }
0x1f: {  	s9 =	smul.u32 $0xF7A, s1;
	s8 =	simm.s32 @!p0 $0x1BF5;
	p2 =	por !p2, p0  }
0x20: {  	[sflag:s8] =	ssyncset.s32 @!p0 $0xFFFFF086;
	s6 =	sadd.s32 @!p0 s3, s7;
	s7 =	simm.s32 @!p0 $0x108  }
0x21: {  	s3 =	sadd.s32 s3, s9;
	s6 =	sadd.s32 @!p0 $0x88, s6;
	s7 =	simm.s32 @p2 $0x1082  }
0x22: {  	[simem:s7], [sflag:s8] =	dma.local @!p0 [hbm:s6], $0xF7A  }
0x23: {  	s9 =	sor.u32 $0xD0000000, s2;
	s6 =	simm.s32 $0x108;
	_ =	swait.ge @!p0 [sflag:s8], $0x0  }
0x24: {  	s3 =	sadd.s32 $0x88, s3;
	s6 =	simm.s32 @!p1 $0x1082;
	[sflag:s4] =	ssyncset.s32 $0xFFFFF086  }
0x25: {  	[simem:s6], [sflag:s4] =	dma.local [hbm:s3], $0xF7A  }
0x26: {  	[smem:$0x3F99] =	sst s1;
	(tag) =	ssettag s2;
	_ =	strace s9  }
0x27: {  	s1 =	sld [smem:$0x3FA9]  }
0x28: {  	s2 =	sld [smem:$0x3FAA]  }
0x29: {  	s4 =	sld [smem:$0x3FAC]  }
0x2a: {  	p0 =	seq.s32 s5, $0x0;
	s5 =	sld [smem:$0x3FAD]  }
0x2b: {  	s6 =	sld [smem:$0x3FAE]  }
0x2c: {  	s7 =	sld [smem:$0x3FAF]  }
0x2d: {  	s3 =	simm.s32 $0x108;
	s8 =	sld [smem:$0x3FB0]  }
0x2e: {  	s3 =	simm.s32 @!p0 $0x1082;
	s9 =	sld [smem:$0x3FB1]  }
0x2f: {  	lr =	sadd.s32 s0, s3;
	s0 =	sld [smem:$0x3FA8]  }
0x30: {  	s3 =	sld [smem:$0x3FAB]  }
0x31: {  	[smem:$0x3FB4] =	sst s10  }
0x32: {  	s10 =	sld [smem:$0x3FB2];
	_ =	sdelay $0x3  }
0x33: {  	p0 =	seq.s32 s10, $0x1;
	s10 =	sld [smem:$0x3FB4];
	_ =	sdelay $0x3  }
0x34: {  	[smem:$0x3FB4] =	sst s10  }
0x35: {  	s10 =	sld [smem:$0x3FB3];
	_ =	sdelay $0x3  }
0x36: {  	p1 =	seq.s32 s10, $0x1;
	s10 =	sld [smem:$0x3FB4];
	_ =	sdelay $0x3  }
0x37: {  	[smem:$0x3FB4] =	sst s10  }
0x38: {  	s10 =	sld [smem:$0x3FB5]  }
0x39: {  	_ = 	snop;
	(pc) =	sbr.ind lr, $3  }
0x3a: {  	_ = 	snop  }
0x3b: {  	_ = 	snop  }
0x3c: {  	p2 =	seq.s32 s10, $0x1;
	s10 =	sld [smem:$0x3FB4]  }
0x3d: {  	_ =	shalt  }
0x3e: {  	_ =	shalt  }
0x3f: {  	_ =	shalt  }
0x40: {  	_ =	shalt  }
0x41: {  	_ =	shalt  }
0x42: {  	_ =	shalt  }
0x43: {  	_ =	shalt  }
0x44: {  	_ =	shalt  }
0x45: {  	_ =	shalt  }
0x46: {  	_ =	shalt  }
0x47: {  	_ =	shalt  }
0x48: {  	_ =	shalt  }
0x49: {  	_ =	shalt  }
0x4a: {  	_ =	shalt  }
0x4b: {  	_ =	shalt  }
0x4c: {  	_ =	shalt  }
0x4d: {  	_ =	shalt  }
0x4e: {  	_ =	shalt  }
0x4f: {  	_ =	shalt  }
0x50: {  	_ =	shalt  }
0x51: {  	_ =	shalt  }
0x52: {  	_ =	shalt  }
0x53: {  	_ =	shalt  }
0x54: {  	_ =	shalt  }
0x55: {  	_ =	shalt  }
0x56: {  	_ =	shalt  }
0x57: {  	_ =	shalt  }
0x58: {  	_ =	shalt  }
0x59: {  	_ =	shalt  }
0x5a: {  	_ =	shalt  }
0x5b: {  	_ =	shalt  }
0x5c: {  	_ =	shalt  }
0x5d: {  	_ =	shalt  }
0x5e: {  	_ =	shalt  }
0x5f: {  	_ =	shalt  }
0x60: {  	_ =	shalt  }
0x61: {  	_ =	shalt  }
0x62: {  	_ =	shalt  }
0x63: {  	_ =	shalt  }
0x64: {  	_ =	shalt  }
0x65: {  	_ =	shalt  }
0x66: {  	_ =	shalt  }
0x67: {  	_ =	shalt  }
0x68: {  	_ =	shalt  }
0x69: {  	_ =	shalt  }
0x6a: {  	_ =	shalt  }
0x6b: {  	_ =	shalt  }
0x6c: {  	_ =	shalt  }
0x6d: {  	_ =	shalt  }
0x6e: {  	_ =	shalt  }
0x6f: {  	_ =	shalt  }
0x70: {  	_ =	shalt  }
0x71: {  	_ =	shalt  }
0x72: {  	_ =	shalt  }
0x73: {  	_ =	shalt  }
0x74: {  	_ =	shalt  }
0x75: {  	_ =	shalt  }
0x76: {  	_ =	shalt  }
0x77: {  	_ =	shalt  }
0x78: {  	_ =	shalt  }
0x79: {  	_ =	shalt  }
0x7a: {  	_ =	shalt  }
0x7b: {  	_ =	shalt  }
0x7c: {  	_ =	shalt  }
0x7d: {  	_ =	shalt  }
0x7e: {  	_ =	shalt  }
0x7f: {  	_ =	shalt  }
0x80: {  	_ =	shalt  }
0x81: {  	_ =	shalt  }
0x82: {  	_ =	shalt  }
0x83: {  	_ =	shalt  }
0x84: {  	_ =	shalt  }
0x85: {  	_ =	shalt  }
0x86: {  	_ =	shalt  }
0x87: {  	_ =	shalt  }
.Lfunc_end0:
.L_simem_size_0:
called_computation.2_lowered:
.L_overlay_start_0:
0x88: {  	s2 =	sld [smem:$0x3FD9]  }
0x89: {  	s3 =	sld [smem:$0x3FFE];
	_ =	sdelay $0x1  }
0x8a: {  	s1 =	srdreg.scid  }
0x8b: {  	s0 =	sand.u32 $0x1, s1  }
0x8c: {  	s17 =	sshll.u32 s0, $0xA;
	s2 =	sadd.s32 s3, s2  }
0x8d: {  	s2 =	sadd.s32 s2, s17  }
0x8e: {  	[smem:$0x3FC0] =	sst s2  }
0x8f: {  	_ = 	snop  }
0x90: {  	s2 =	sld [smem:$0x3FD0];
	(tm) =	ssettm $0x1  }
0x91: {  	s18 =	sld [smem:$0x3FFB];
	_ =	sdelay $0x3  }
0x92: {  	_ =	strace s18  }
0x93: {  	s3 =	sld [smem:$0x3FFC];
	_ =	sdelay $0x3  }
0x94: {  	_ =	strace s3  }
0x95: {  	s3 =	sld [smem:$0x3FFD];
	_ =	sdelay $0x3  }
0x96: {  	_ =	strace s3  }
0x97: {  	_ =	strace $0x8FFFFFFF  }
0x98: {  	s19 =	sld [smem:$0x3FDB];
	_ =	sdelay $0x1  }
0x99: {  	s4 =	simm.s32 $_scs_section_size  }
0x9a: {  	s5 =	simm.s32 $_size__tile_overlayer_lowered;
	s6 =	simm.s32 $_tile_overlayer_lowered  }
0x9b: {  	s22 =	simm.s32 $0x1BFF;
	s21 =	sshll.u32 s6, $0x1;
	s3 =	sadd.s32 s4, s19  }
0x9c: {  	s7 =	simm.s32 $0x0;
	s20 =	sshll.u32 s5, $0x1;
	s5 =	sadd.s32 s21, s3  }
0x9d: {  	[timem:s7], [sflag:s22] =	dma.local [hbm:s5], s20  }
0x9e: {  	_ =	swait.ge [sflag:s22], s20  }
0x9f: {  	s4 =	ssub.s32 $0x0, s20;
	[sflag:s22] =	ssyncset.done $0x0  }
0xa0: {  	[sflag:s22] =	ssyncadd.s32 s4;
	_ =	sdelay $0x1  }
0xa1: {  	s23 =	simm.s32 $0x1B8B  }
0xa2: {  	_ =	swait.ge [sflag:s23], $0x1  }
0xa3: {  	[sflag:s23] =	ssyncset.done $0x0  }
0xa4: {  	s25 =	simm.s32 $0x1B8E;
	s24 =	sld [smem:$0x3FFE];
	[sflag:s23] =	ssyncadd.s32 $0xFFFFFFFF  }
0xa5: {  	s26 =	simm.s32 $execute0_lowered;
	[smem:$0x3FD2] =	sst s25  }
0xa6: {  	s5 =	sshll.u32 s26, $0x1;
	_ =	strace $0x8000004C;
	[dreg:$0x1] =	wrdreg $0xFFFFFFFF  }
0xa7: {  	s28 =	simm.s32 $_size_execute0_lowered;
	s3 =	sadd.s32 s3, s5;
	[dreg:$0x0] =	wrdreg $0x0  }
0xa8: {  	s5 =	sshll.u32 s28, $0x1;
	[dreg:$0x2] =	wrdreg s3  }
0xa9: {  	[dreg:$0x3] =	wrdreg s5  }
0xaa: {  	[dreg:$0x4] =	wrdreg $0xC0  }
0xab: {  	_ =	task [dreg:s7], $0x5FFFF  }
0xac: {  	[dreg:$0x1] =	wrdreg $0xFFFFFFFF  }
0xad: {  	[dreg:$0x0] =	wrdreg $0x60  }
0xae: {  	[dreg:$0x2] =	wrdreg s24  }
0xaf: {  	[dreg:$0x3] =	wrdreg s2  }
0xb0: {  	[dreg:$0x4] =	wrdreg $0x41000  }
0xb1: {  	[dreg:$0x5] =	wrdreg $0x9  }
0xb2: {  	_ =	task.clear_ibuf [dreg:s7], $0x6FFFF;
	_ =	strace $0x9000004C  }
0xb3: {  	s29 =	simm.s32 $0x9;
	_ =	strace $0x8000004E  }
0xb4: {  	_ =	swait.ge [sflag:s29], $0x1  }
0xb5: {  	[sflag:s29] =	ssyncadd.s32 $0xFFFFFFFF  }
0xb6: {  	_ =	strace $0x9000004E  }
0xb7: {  	_ =	sfence  }
0xb8: {  	s30 =	sld [smem:$0x0];
	_ =	sdelay $0x2  }
0xb9: {  	s31 =	sshll.u32 s1, $0xD;
	s1 =	sshrl.u32 s1, $0x2  }
0xba: {  	s3 =	sand.u32 $0x4000, s31;
	s1 =	sadd.s32 s1, s30  }
0xbb: {  	s0 =	sor.u32 s3, s0;
	s1 =	sshll.u32 s1, $0x11  }
0xbc: {  	s0 =	sor.u32 s1, s0  }
0xbd: {  	s0 =	sadd.s32 $0x8F2B, s0  }
0xbe: {  	[sflag:s0] =	ssyncadd.remote.s32 $0x1  }
0xbf: {  	_ =	sfence.sel $0xFFFF  }
0xc0: {  	[dreg:$0x0] =	wrdreg $0xFFFFFFFF;
	(pc) =	sbr.abs _section_cstart, $3  }
0xc1: {  	[dreg:$0x1] =	wrdreg $0xFFFFFFFF  }
0xc2: {  	_ =	task.clear_ibuf [dreg:s7], $0x2FFFF;
	_ =	strace $0x9FFFFFFF  }
0xc3: {  	(tm) =	ssettm $0x7FFFFFFF  }
tec
execute0_lowered:
.L_overlay_start_1:
0x0: {  	(tag) =	ssettag $0x1  }
0x1: {  	s5 =	rddreg [dreg:$0x0]  }
0x2: {  	s1 =	srdreg.scid;
	s0 =	stileid.u32  }
0x3: {  	s10 =	rddreg [dreg:$0x1];
	s4 =	smul.u32 $0x5000, s0  }
0x4: {  	s2 =	rddreg [dreg:$0x2];
	s3 =	simm.s32 $0x0;
	s9 =	smul.u32 $0x280, s0  }
0x5: {  	s15 =	simm.s32 $0x1;
	s16 =	simm.s32 $0x0;
	s26 =	smul.u32 $0x50000, s0  }
0x6: {  	s6 =	sand.u32 $0x1, s1;
	s1 =	rddreg [dreg:$0x3];
	s14 =	smul.u32 $0xA00, s0  }
0x7: {  	[smem:$0x7FF] =	sst s3;
	s31 =	sshll.u32 s0, $0x6;
	s7 =	smul.u32 $0x50000, s6  }
0x8: {  	s8 =	smul.u32 $0x2800, s6;
	_ =	strace $0x8000004D;
	s6 =	ssub.s32 $0x2, s6  }
0x9: {  	s29 =	sshrl.u32 s6, $0x1;
	s30 =	sshrl.u32 s26, $0x2;
	s10 =	sadd.s32 s14, s10  }
0xa: {  	s14 =	simm.s32 $0x100;
	s7 =	sadd.s32 s4, s7;
	s4 =	sadd.s32 $0x1E00, s5  }
0xb: {  	s8 =	sadd.s32 s9, s8;
	s13 =	sadd.s32 s30, s2;
	s7 =	sshrl.u32 s7, $0x3  }
0xc: {  	s28 =	sshll.u32 s8, $0x4;
	s8 =	ssub.s32 s6, s29;
	s6 =	sor.u32 $0x1C02, s31  }
0xd: {  	s11 =	sadd.s32 s7, s5;
	s12 =	sadd.s32 s28, s5;
	s5 =	sadd.s32 s4, s28  }
0xe: {  	s8 =	smax.u32 s8, $0x1;
	s7 =	sadd.s32 $0x67000, s12;
	s9 =	sadd.s32 $0x52E00, s11  }
0xf: {  	s11 =	sshrl.u32 s13, $0x3;
	s12 =	simm.s32 $0x2;
	s13 =	simm.s32 $0x80  }
.LBB2_1:
0x10: {  	[spmem:s11], [sflag:s6] =	dma.local [hbm:s5], $0x2800  }
0x11: {  	_ =	swait.ge [sflag:s12], $0x2800  }
0x12: {  	[sflag:s12] =	ssyncset.done $0x0  }
0x13: {  	[sflag:s12] =	ssyncadd.s32 $0xFFFFD800  }
0x14: {  	s17 =	sadd.s32 $0x0, s9;
	[bflag:$0x0] =	sbarrier.arrive $0xFFFF  }
0x15: {  	[tilespmem:s3], [sflag:$0x2] =	stream.linear.gather [hbm4b:s17+s3], $0x80, $0x38;
	[tilespmem:$0x18100] =	vst v63  }
0x16: {  	_ =	swait.ge [sflag:s12], $0x80  }
0x17: {  	[sflag:s12] =	ssyncset.done $0x0  }
0x18: {  	s31 =	sadd.s32 $0x0, s10;
	[sflag:s12] =	ssyncadd.s32 $0xFFFFFF80  }
0x19: {  	[tilespmem:s13], [sflag:$0x2] =	stream.linear.gather [hbm4b:s31+s3], $0x80, $0x38;
	[tilespmem:$0x18100] =	vst v63  }
0x1a: {  	_ =	swait.ge [sflag:s12], $0x80  }
0x1b: {  	[sflag:s12] =	ssyncset.done $0x0  }
0x1c: {  	[sflag:s12] =	ssyncadd.s32 $0xFFFFFF80  }
0x1d: {  	[tilespmem:s14], [sflag:$0x1] =	stream.indirect.gather [hbm4b:s4+s13], $0x80, s3, s13, $0xb8;
	[tilespmem:$0x18100] =	vst v63  }
0x1e: {  	_ =	swait.ge [sflag:s15], $0x4000  }
0x1f: {  	[sflag:s15] =	ssyncset.done $0x0  }
0x20: {  	[sflag:s15] =	ssyncadd.s32 $0xFFFFC000  }
0x21: {  	[spmem:s2] =	stream.indirect.scatter.add.f32 [tilespmem:s14], [sflag:$0x2], $0x80, s13, s13, $0xb8;
	[tilespmem:$0x18100] =	vst v63  }
0x22: {  	_ =	swait.ge [sflag:s12], $0x4000  }
0x23: {  	s18 =	simm.s32 $0x20;
	s17 =	simm.s32 $0x10;
	[sflag:s12] =	ssyncset.done $0x0  }
.LBB2_2:
0x24: {  	s19 =	sadd.s32 s17, s9  }
0x25: {  	[sflag:s12] =	ssyncadd.s32 $0xFFFFC000;
	s20 =	smov.u32 s18;
	s21 =	sadd.s32 $0x10, s18  }
0x26: {  	[tilespmem:s3], [sflag:$0x2] =	stream.linear.gather [hbm4b:s19+s3], $0x80, $0x38;
	[tilespmem:$0x18100] =	vst v63  }
0x27: {  	p0 =	sne.s32 s18, $0x9F0;
	_ =	swait.ge [sflag:s12], $0x80  }
0x28: {  	[sflag:s12] =	ssyncset.done $0x0  }
0x29: {  	s18 =	sadd.s32 s17, s10;
	s17 =	smov.u32 s20;
	[sflag:s12] =	ssyncadd.s32 $0xFFFFFF80  }
0x2a: {  	[tilespmem:s13], [sflag:$0x2] =	stream.linear.gather [hbm4b:s18+s3], $0x80, $0x38;
	[tilespmem:$0x18100] =	vst v63  }
0x2b: {  	_ =	swait.ge [sflag:s12], $0x80  }
0x2c: {  	[sflag:s12] =	ssyncset.done $0x0  }
0x2d: {  	[sflag:s12] =	ssyncadd.s32 $0xFFFFFF80  }
0x2e: {  	[tilespmem:s14], [sflag:$0x1] =	stream.indirect.gather [hbm4b:s4+s13], $0x80, s3, s13, $0xb8;
	[tilespmem:$0x18100] =	vst v63  }
0x2f: {  	_ =	swait.ge [sflag:s15], $0x4000  }
.Ltmp0:
0x30: {  	[sflag:s15] =	ssyncset.done $0x0;
	(pc) =	sbr.rel @p0 .LBB2_2-.Ltmp0, $4  }
0x31: {  	[sflag:s15] =	ssyncadd.s32 $0xFFFFC000  }
0x32: {  	[spmem:s2] =	stream.indirect.scatter.add.f32 [tilespmem:s14], [sflag:$0x2], $0x80, s13, s13, $0xb8;
	[tilespmem:$0x18100] =	vst v63  }
0x33: {  	_ =	swait.ge [sflag:s12], $0x4000  }
0x34: {  	s18 =	smov.u32 s21;
	[sflag:s12] =	ssyncset.done $0x0  }
0x35: {  	s18 =	sadd.s32 s17, s9;
	[sflag:s12] =	ssyncadd.s32 $0xFFFFC000  }
0x36: {  	[tilespmem:s3], [sflag:$0x2] =	stream.linear.gather [hbm4b:s18+s3], $0x80, $0x38;
	[tilespmem:$0x18100] =	vst v63  }
0x37: {  	_ =	swait.ge [sflag:s12], $0x80  }
0x38: {  	[sflag:s12] =	ssyncset.done $0x0  }
0x39: {  	s31 =	sadd.s32 s17, s10;
	[sflag:s12] =	ssyncadd.s32 $0xFFFFFF80  }
0x3a: {  	[tilespmem:s13], [sflag:$0x2] =	stream.linear.gather [hbm4b:s31+s3], $0x80, $0x38;
	[tilespmem:$0x18100] =	vst v63  }
0x3b: {  	_ =	swait.ge [sflag:s12], $0x80  }
0x3c: {  	[sflag:s12] =	ssyncset.done $0x0  }
0x3d: {  	[sflag:s12] =	ssyncadd.s32 $0xFFFFFF80  }
0x3e: {  	[tilespmem:s14], [sflag:$0x1] =	stream.indirect.gather [hbm4b:s4+s13], $0x80, s3, s13, $0xb8;
	[tilespmem:$0x18100] =	vst v63  }
0x3f: {  	_ =	swait.ge [sflag:s15], $0x4000  }
0x40: {  	[sflag:s15] =	ssyncset.done $0x0  }
0x41: {  	[sflag:s15] =	ssyncadd.s32 $0xFFFFC000  }
0x42: {  	[spmem:s2] =	stream.indirect.scatter.add.f32 [tilespmem:s14], [sflag:$0x2], $0x80, s13, s13, $0xb8;
	[tilespmem:$0x18100] =	vst v63  }
0x43: {  	_ =	swait.ge [sflag:s12], $0x4000  }
0x44: {  	s16 =	sadd.s32 $0x1, s16;
	[sflag:s12] =	ssyncset.done $0x0  }
0x45: {  	p0 =	sne.s32 s16, s8;
	[sflag:s12] =	ssyncadd.s32 $0xFFFFC000  }
.Ltmp1:
0x46: {  	[bflag:$0x0] =	sbarrier.arrive $0xFFFF;
	(pc) =	sbr.rel @p0 .LBB2_1-.Ltmp1, $4  }
0x47: {  	[hbm:s7], [sflag:s6] =	dma.local [spmem:s11], $0x2800  }
0x48: {  	_ =	swait.ge [sflag:s12], $0x2800  }
0x49: {  	[sflag:s12] =	ssyncset.done $0x0  }
0x4a: {  	[sflag:s12] =	ssyncadd.s32 $0xFFFFD800  }
0x4b: {  	_ =	sfence.sel $0x180000  }
0x4c: {  	[bflag:$0x0] =	sbarrier.arrive $0xFFFF  }
0x4d: {  	p0 =	sne.s32 s0, $0x0;
	_ =	strace $0x9000004D  }
0x4e: {  	s0 =	sadd.s32 @!p0 $0x100000, s1;
	[bflag:$0x2] =	sbarrier.arrive $0xFFFF  }
0x4f: {  	[sflag:s0] =	ssyncadd.tile.s32 @!p0 $0x1;
	_ =	shalt  }
.Lfunc_end2:
_tile_overlayer_lowered:
.L_overlay_start_2:
0x50: {  	(tag) =	ssettag $0x2  }
0x51: {  	s0 =	rddreg [dreg:$0x0];
	s2 =	stileid.u32  }
0x52: {  	s1 =	rddreg [dreg:$0x1];
	p0 =	sne.s32 s2, $0x0  }
0x53: {  	s3 =	rddreg [dreg:$0x2];
	[bflag:$0x3] =	sbarrier.arrive $0xFFFF;
	s2 =	simm.s32 @!p0 $0x1C02  }
0x54: {  	[timem:s3], [sflag:s2] =	dma.local @!p0 [hbm:s0], s1  }
0x55: {  	s0 =	simm.s32 @!p0 $0x2  }
0x56: {  	_ =	swait.ge @!p0 [sflag:s0], s1  }
0x57: {  	s1 =	ssub.s32 @!p0 $0x0, s1;
	[sflag:s0] =	ssyncset.done @!p0 $0x0  }
0x58: {  	[sflag:s0] =	ssyncadd.s32 @!p0 s1  }
0x59: {  	[bflag:$0x3] =	sbarrier.arrive $0xFFFF  }
0x5a: {  	_ =	shalt  }

// kernel: kernel.8.cloned.1.call-start
scs
__scs_entry_jumppad:
0x0: {  	(pc) =	sbr.rel $0x88, $3  }
0x1: {  	(tag) =	ssettag $0x0;
	lr =	simm.s32 $0x1  }
0x2: {  	[smem:$0x3F99] =	sst lr;
	_ =	strace $0xD0000000  }
0x3: {  	_ = 	snop  }
0x4: {  	_ = 	snop  }
0x5: {  	_ = 	snop  }
0x6: {  	_ = 	snop  }
0x7: {  	_ = 	snop  }
__scs_overlays_trampoline_lowered:
0x8: {  	[smem:$0x3FA8] =	sst s0  }
0x9: {  	[smem:$0x3FA9] =	sst s1  }
0xa: {  	[smem:$0x3FAA] =	sst s2  }
0xb: {  	[smem:$0x3FAB] =	sst s3  }
0xc: {  	[smem:$0x3FAC] =	sst s4  }
0xd: {  	[smem:$0x3FAD] =	sst s5  }
0xe: {  	[smem:$0x3FAE] =	sst s6  }
0xf: {  	[smem:$0x3FAF] =	sst s7  }
0x10: {  	[smem:$0x3FB0] =	sst s8  }
0x11: {  	[smem:$0x3FB1] =	sst s9;
	s0 =	simm.s32 @!p0 $0x0  }
0x12: {  	s1 =	sld [smem:$0x3F97];
	s0 =	simm.s32 @p0 $0x1  }
0x13: {  	[smem:$0x3FB2] =	sst s0;
	s0 =	simm.s32 @!p1 $0x0  }
0x14: {  	s2 =	sld [smem:$0x3F96];
	s0 =	simm.s32 @p1 $0x1  }
0x15: {  	[smem:$0x3FB3] =	sst s0;
	s0 =	simm.s32 @!p2 $0x0  }
0x16: {  	s3 =	sld [smem:$0x3FDB];
	s0 =	simm.s32 @p2 $0x1  }
0x17: {  	s4 =	simm.s32 $0x1BF5;
	[smem:$0x3FB5] =	sst s0  }
0x18: {  	s0 =	sld [smem:$0x3F98];
	_ =	swait.ge [sflag:s4], $0x0  }
0x19: {  	s7 =	sld [smem:$0x3F99]  }
0x1a: {  	s8 =	sadd.s32 $0xFFFFE003, lr  }
0x1b: {  	s9 =	sadd.s32 $0xFFFFFEF7, lr;
	s5 =	simm.s32 $0xFFFFFFFF;
	p2 =	slt.u32 s8, $0xFFFFF086  }
0x1c: {  	p1 =	slt.u32 s9, $0xF7A;
	s5 =	simm.s32 @!p2 $0x0  }
0x1d: {  	s5 =	simm.s32 @p1 $0x1;
	p0 =	seq.s32 s7, s2  }
0x1e: {  	s7 =	smul.u32 @!p0 $0xF7A, s2;
	p2 =	seq.s32 @!p0 s5, $0x0  }
0x1f: {  	s9 =	smul.u32 $0xF7A, s1;
	s8 =	simm.s32 @!p0 $0x1BF5;
	p2 =	por !p2, p0  }
0x20: {  	[sflag:s8] =	ssyncset.s32 @!p0 $0xFFFFF086;
	s6 =	sadd.s32 @!p0 s3, s7;
	s7 =	simm.s32 @!p0 $0x108  }
0x21: {  	s3 =	sadd.s32 s3, s9;
	s6 =	sadd.s32 @!p0 $0x88, s6;
	s7 =	simm.s32 @p2 $0x1082  }
0x22: {  	[simem:s7], [sflag:s8] =	dma.local @!p0 [hbm:s6], $0xF7A  }
0x23: {  	s9 =	sor.u32 $0xD0000000, s2;
	s6 =	simm.s32 $0x108;
	_ =	swait.ge @!p0 [sflag:s8], $0x0  }
0x24: {  	s3 =	sadd.s32 $0x88, s3;
	s6 =	simm.s32 @!p1 $0x1082;
	[sflag:s4] =	ssyncset.s32 $0xFFFFF086  }
0x25: {  	[simem:s6], [sflag:s4] =	dma.local [hbm:s3], $0xF7A  }
0x26: {  	[smem:$0x3F99] =	sst s1;
	(tag) =	ssettag s2;
	_ =	strace s9  }
0x27: {  	s1 =	sld [smem:$0x3FA9]  }
0x28: {  	s2 =	sld [smem:$0x3FAA]  }
0x29: {  	s4 =	sld [smem:$0x3FAC]  }
0x2a: {  	p0 =	seq.s32 s5, $0x0;
	s5 =	sld [smem:$0x3FAD]  }
0x2b: {  	s6 =	sld [smem:$0x3FAE]  }
0x2c: {  	s7 =	sld [smem:$0x3FAF]  }
0x2d: {  	s3 =	simm.s32 $0x108;
	s8 =	sld [smem:$0x3FB0]  }
0x2e: {  	s3 =	simm.s32 @!p0 $0x1082;
	s9 =	sld [smem:$0x3FB1]  }
0x2f: {  	lr =	sadd.s32 s0, s3;
	s0 =	sld [smem:$0x3FA8]  }
0x30: {  	s3 =	sld [smem:$0x3FAB]  }
0x31: {  	[smem:$0x3FB4] =	sst s10  }
0x32: {  	s10 =	sld [smem:$0x3FB2];
	_ =	sdelay $0x3  }
0x33: {  	p0 =	seq.s32 s10, $0x1;
	s10 =	sld [smem:$0x3FB4];
	_ =	sdelay $0x3  }
0x34: {  	[smem:$0x3FB4] =	sst s10  }
0x35: {  	s10 =	sld [smem:$0x3FB3];
	_ =	sdelay $0x3  }
0x36: {  	p1 =	seq.s32 s10, $0x1;
	s10 =	sld [smem:$0x3FB4];
	_ =	sdelay $0x3  }
0x37: {  	[smem:$0x3FB4] =	sst s10  }
0x38: {  	s10 =	sld [smem:$0x3FB5]  }
0x39: {  	_ = 	snop;
	(pc) =	sbr.ind lr, $3  }
0x3a: {  	_ = 	snop  }
0x3b: {  	_ = 	snop  }
0x3c: {  	p2 =	seq.s32 s10, $0x1;
	s10 =	sld [smem:$0x3FB4]  }
0x3d: {  	_ =	shalt  }
0x3e: {  	_ =	shalt  }
0x3f: {  	_ =	shalt  }
0x40: {  	_ =	shalt  }
0x41: {  	_ =	shalt  }
0x42: {  	_ =	shalt  }
0x43: {  	_ =	shalt  }
0x44: {  	_ =	shalt  }
0x45: {  	_ =	shalt  }
0x46: {  	_ =	shalt  }
0x47: {  	_ =	shalt  }
0x48: {  	_ =	shalt  }
0x49: {  	_ =	shalt  }
0x4a: {  	_ =	shalt  }
0x4b: {  	_ =	shalt  }
0x4c: {  	_ =	shalt  }
0x4d: {  	_ =	shalt  }
0x4e: {  	_ =	shalt  }
0x4f: {  	_ =	shalt  }
0x50: {  	_ =	shalt  }
0x51: {  	_ =	shalt  }
0x52: {  	_ =	shalt  }
0x53: {  	_ =	shalt  }
0x54: {  	_ =	shalt  }
0x55: {  	_ =	shalt  }
0x56: {  	_ =	shalt  }
0x57: {  	_ =	shalt  }
0x58: {  	_ =	shalt  }
0x59: {  	_ =	shalt  }
0x5a: {  	_ =	shalt  }
0x5b: {  	_ =	shalt  }
0x5c: {  	_ =	shalt  }
0x5d: {  	_ =	shalt  }
0x5e: {  	_ =	shalt  }
0x5f: {  	_ =	shalt  }
0x60: {  	_ =	shalt  }
0x61: {  	_ =	shalt  }
0x62: {  	_ =	shalt  }
0x63: {  	_ =	shalt  }
0x64: {  	_ =	shalt  }
0x65: {  	_ =	shalt  }
0x66: {  	_ =	shalt  }
0x67: {  	_ =	shalt  }
0x68: {  	_ =	shalt  }
0x69: {  	_ =	shalt  }
0x6a: {  	_ =	shalt  }
0x6b: {  	_ =	shalt  }
0x6c: {  	_ =	shalt  }
0x6d: {  	_ =	shalt  }
0x6e: {  	_ =	shalt  }
0x6f: {  	_ =	shalt  }
0x70: {  	_ =	shalt  }
0x71: {  	_ =	shalt  }
0x72: {  	_ =	shalt  }
0x73: {  	_ =	shalt  }
0x74: {  	_ =	shalt  }
0x75: {  	_ =	shalt  }
0x76: {  	_ =	shalt  }
0x77: {  	_ =	shalt  }
0x78: {  	_ =	shalt  }
0x79: {  	_ =	shalt  }
0x7a: {  	_ =	shalt  }
0x7b: {  	_ =	shalt  }
0x7c: {  	_ =	shalt  }
0x7d: {  	_ =	shalt  }
0x7e: {  	_ =	shalt  }
0x7f: {  	_ =	shalt  }
0x80: {  	_ =	shalt  }
0x81: {  	_ =	shalt  }
0x82: {  	_ =	shalt  }
0x83: {  	_ =	shalt  }
0x84: {  	_ =	shalt  }
0x85: {  	_ =	shalt  }
0x86: {  	_ =	shalt  }
0x87: {  	_ =	shalt  }
.Lfunc_end0:
.L_simem_size_0:
called_computation_lowered:
.L_overlay_start_0:
0x88: {  	s2 =	sld [smem:$0x3FD9]  }
0x89: {  	s3 =	sld [smem:$0x3FFE];
	_ =	sdelay $0x1  }
0x8a: {  	s1 =	srdreg.scid  }
0x8b: {  	s0 =	sand.u32 $0x1, s1  }
0x8c: {  	s17 =	sshll.u32 s0, $0xA;
	s2 =	sadd.s32 s3, s2  }
0x8d: {  	s2 =	sadd.s32 s2, s17  }
0x8e: {  	[smem:$0x3FC0] =	sst s2  }
0x8f: {  	_ = 	snop  }
0x90: {  	s2 =	sld [smem:$0x3FD0];
	(tm) =	ssettm $0x1  }
0x91: {  	s18 =	sld [smem:$0x3FFB];
	_ =	sdelay $0x3  }
0x92: {  	_ =	strace s18  }
0x93: {  	s3 =	sld [smem:$0x3FFC];
	_ =	sdelay $0x3  }
0x94: {  	_ =	strace s3  }
0x95: {  	s3 =	sld [smem:$0x3FFD];
	_ =	sdelay $0x3  }
0x96: {  	_ =	strace s3  }
0x97: {  	_ =	strace $0x8FFFFFFF  }
0x98: {  	s19 =	sld [smem:$0x3FDB];
	_ =	sdelay $0x1  }
0x99: {  	s4 =	simm.s32 $_scs_section_size  }
0x9a: {  	s5 =	simm.s32 $_size__tile_overlayer_lowered;
	s6 =	simm.s32 $_tile_overlayer_lowered  }
0x9b: {  	s22 =	simm.s32 $0x1BFF;
	s21 =	sshll.u32 s6, $0x1;
	s3 =	sadd.s32 s4, s19  }
0x9c: {  	s7 =	simm.s32 $0x0;
	s20 =	sshll.u32 s5, $0x1;
	s5 =	sadd.s32 s21, s3  }
0x9d: {  	[timem:s7], [sflag:s22] =	dma.local [hbm:s5], s20  }
0x9e: {  	_ =	swait.ge [sflag:s22], s20  }
0x9f: {  	s4 =	ssub.s32 $0x0, s20;
	[sflag:s22] =	ssyncset.done $0x0  }
0xa0: {  	[sflag:s22] =	ssyncadd.s32 s4;
	_ =	sdelay $0x1  }
0xa1: {  	s23 =	simm.s32 $0x1B8B  }
0xa2: {  	_ =	swait.ge [sflag:s23], $0x1  }
0xa3: {  	[sflag:s23] =	ssyncset.done $0x0  }
0xa4: {  	s25 =	simm.s32 $0x1B8E;
	s24 =	sld [smem:$0x3FFE];
	[sflag:s23] =	ssyncadd.s32 $0xFFFFFFFF  }
0xa5: {  	s26 =	simm.s32 $execute0_lowered;
	[smem:$0x3FD2] =	sst s25  }
0xa6: {  	s5 =	sshll.u32 s26, $0x1;
	_ =	strace $0x80000046;
	[dreg:$0x1] =	wrdreg $0xFFFFFFFF  }
0xa7: {  	s28 =	simm.s32 $_size_execute0_lowered;
	s3 =	sadd.s32 s3, s5;
	[dreg:$0x0] =	wrdreg $0x0  }
0xa8: {  	s5 =	sshll.u32 s28, $0x1;
	[dreg:$0x2] =	wrdreg s3  }
0xa9: {  	[dreg:$0x3] =	wrdreg s5  }
0xaa: {  	[dreg:$0x4] =	wrdreg $0xC0  }
0xab: {  	_ =	task [dreg:s7], $0x5FFFF  }
0xac: {  	[dreg:$0x1] =	wrdreg $0xFFFFFFFF  }
0xad: {  	[dreg:$0x0] =	wrdreg $0x60  }
0xae: {  	[dreg:$0x2] =	wrdreg s2  }
0xaf: {  	[dreg:$0x3] =	wrdreg s24  }
0xb0: {  	[dreg:$0x4] =	wrdreg $0x80800  }
0xb1: {  	[dreg:$0x5] =	wrdreg $0x9  }
0xb2: {  	_ =	task.clear_ibuf [dreg:s7], $0x6FFFF;
	_ =	strace $0x90000046  }
0xb3: {  	s29 =	simm.s32 $0x9;
	_ =	strace $0x80000048  }
0xb4: {  	_ =	swait.ge [sflag:s29], $0x1  }
0xb5: {  	[sflag:s29] =	ssyncadd.s32 $0xFFFFFFFF  }
0xb6: {  	_ =	strace $0x90000048  }
0xb7: {  	_ =	sfence  }
0xb8: {  	s30 =	sld [smem:$0x0];
	_ =	sdelay $0x2  }
0xb9: {  	s31 =	sshll.u32 s1, $0xD;
	s1 =	sshrl.u32 s1, $0x2  }
0xba: {  	s3 =	sand.u32 $0x4000, s31;
	s1 =	sadd.s32 s1, s30  }
0xbb: {  	s0 =	sor.u32 s3, s0;
	s1 =	sshll.u32 s1, $0x11  }
0xbc: {  	s0 =	sor.u32 s1, s0  }
0xbd: {  	s0 =	sadd.s32 $0x8F2B, s0  }
0xbe: {  	[sflag:s0] =	ssyncadd.remote.s32 $0x1  }
0xbf: {  	_ =	sfence.sel $0xFFFF  }
0xc0: {  	[dreg:$0x0] =	wrdreg $0xFFFFFFFF;
	(pc) =	sbr.abs _section_cstart, $3  }
0xc1: {  	[dreg:$0x1] =	wrdreg $0xFFFFFFFF  }
0xc2: {  	_ =	task.clear_ibuf [dreg:s7], $0x2FFFF;
	_ =	strace $0x9FFFFFFF  }
0xc3: {  	(tm) =	ssettm $0x7FFFFFFF  }
tec
execute0_lowered:
.L_overlay_start_1:
0x0: {  	(tag) =	ssettag $0x1  }
0x1: {  	s16 =	rddreg [dreg:$0x0]  }
0x2: {  	s6 =	rddreg [dreg:$0x1]  }
0x3: {  	s2 =	rddreg [dreg:$0x2]  }
0x4: {  	s0 =	rddreg [dreg:$0x3];
	s1 =	stileid.u32  }
0x5: {  	s4 =	srdreg.scid;
	s3 =	simm.s32 $0x0;
	s7 =	smul.u32 $0x280, s1  }
0x6: {  	s20 =	simm.s32 $0x80;
	s21 =	simm.s32 $0x0;
	s9 =	smul.u32 $0x50000, s1  }
0x7: {  	s12 =	sand.u32 $0x1, s4;
	[smem:$0x7FF] =	sst s3;
	s19 =	smul.u32 $0x500, s1  }
0x8: {  	s4 =	sadd.s32 $0x2600, s6;
	s5 =	sadd.s32 $0x1E00, s6;
	s8 =	smul.u32 $0x2800, s12  }
0x9: {  	_ =	strace $0x80000047;
	s31 =	ssub.s32 $0x2, s12;
	s18 =	smul.u32 $0x5000, s12  }
0xa: {  	s10 =	sshrl.u32 s31, $0x1;
	s9 =	sshrl.u32 s9, $0x2;
	s7 =	sadd.s32 s7, s8  }
0xb: {  	s17 =	ssub.s32 s31, s10;
	s18 =	sadd.s32 s18, s16;
	s7 =	sshll.u32 s7, $0x4  }
0xc: {  	s16 =	smax.u32 s17, $0x1;
	s17 =	sadd.s32 s19, s18;
	s18 =	simm.s32 $0x4080  }
0xd: {  	s19 =	simm.s32 $0x1;
	s15 =	sadd.s32 s7, s6;
	s6 =	sadd.s32 s9, s2  }
0xe: {  	s7 =	sadd.s32 $0x4000, s6;
	s8 =	sadd.s32 $0x8000, s6;
	s9 =	sadd.s32 $0xC000, s6  }
0xf: {  	s10 =	sadd.s32 $0x10000, s6;
	s11 =	sadd.s32 $0x2E00, s15;
	s12 =	sadd.s32 $0x3600, s15  }
0x10: {  	s13 =	sadd.s32 $0x3E00, s15;
	s14 =	sadd.s32 $0x4600, s15;
	s15 =	sadd.s32 $0x4E00, s15  }
.LBB2_1:
0x11: {  	[tilespmem:s18], [sflag:$0x1] =	stream.linear.gather [hbm4b:s5+s3], $0x4000, $0x38;
	[tilespmem:$0x1C080] =	vst v63  }
0x12: {  	_ =	swait.ge [sflag:s19], $0x4000  }
0x13: {  	[sflag:s19] =	ssyncset.done $0x0  }
0x14: {  	[sflag:s19] =	ssyncadd.s32 $0xFFFFC000  }
0x15: {  	[spmem:s6] =	stream.linear.scatter [tilespmem:s18], [sflag:$0x1], $0x4000, $0x38;
	[tilespmem:$0x1C080] =	vst v63  }
0x16: {  	_ =	swait.ge [sflag:s19], $0x4000  }
0x17: {  	[sflag:s19] =	ssyncset.done $0x0  }
0x18: {  	[sflag:s19] =	ssyncadd.s32 $0xFFFFC000  }
0x19: {  	[spmem:s7] =	stream.linear.scatter [tilespmem:s18], [sflag:$0x1], $0x4000, $0x38;
	[tilespmem:$0x1C080] =	vst v63  }
0x1a: {  	_ =	swait.ge [sflag:s19], $0x4000  }
0x1b: {  	[sflag:s19] =	ssyncset.done $0x0  }
0x1c: {  	[sflag:s19] =	ssyncadd.s32 $0xFFFFC000  }
0x1d: {  	[spmem:s8] =	stream.linear.scatter [tilespmem:s18], [sflag:$0x1], $0x4000, $0x38;
	[tilespmem:$0x1C080] =	vst v63  }
0x1e: {  	_ =	swait.ge [sflag:s19], $0x4000  }
0x1f: {  	[sflag:s19] =	ssyncset.done $0x0  }
0x20: {  	[sflag:s19] =	ssyncadd.s32 $0xFFFFC000  }
0x21: {  	[spmem:s9] =	stream.linear.scatter [tilespmem:s18], [sflag:$0x1], $0x4000, $0x38;
	[tilespmem:$0x1C080] =	vst v63  }
0x22: {  	_ =	swait.ge [sflag:s19], $0x4000  }
0x23: {  	[sflag:s19] =	ssyncset.done $0x0  }
0x24: {  	[sflag:s19] =	ssyncadd.s32 $0xFFFFC000  }
0x25: {  	[spmem:s10] =	stream.linear.scatter [tilespmem:s18], [sflag:$0x1], $0x4000, $0x38;
	[tilespmem:$0x1C080] =	vst v63  }
0x26: {  	_ =	swait.ge [sflag:s19], $0x4000  }
0x27: {  	[sflag:s19] =	ssyncset.done $0x0  }
0x28: {  	[sflag:s19] =	ssyncadd.s32 $0xFFFFC000  }
0x29: {  	[tilespmem:s20], [sflag:$0x1] =	stream.linear.gather [hbm4b:s4+s3], $0x4000, $0x38;
	[tilespmem:$0x1C080] =	vst v63  }
0x2a: {  	_ =	swait.ge [sflag:s19], $0x4000  }
0x2b: {  	[sflag:s19] =	ssyncset.done $0x0  }
0x2c: {  	[sflag:s19] =	ssyncadd.s32 $0xFFFFC000  }
0x2d: {  	s22 =	sadd.s32 $0x0, s17;
	[bflag:$0x0] =	sbarrier.arrive $0xFFFF  }
0x2e: {  	[tilespmem:s3], [sflag:$0x1] =	stream.linear.gather [hbm4b:s22+s3], $0x80, $0x38;
	[tilespmem:$0x1C080] =	vst v63  }
0x2f: {  	_ =	swait.ge [sflag:s19], $0x80  }
0x30: {  	[sflag:s19] =	ssyncset.done $0x0  }
0x31: {  	[sflag:s19] =	ssyncadd.s32 $0xFFFFFF80  }
0x32: {  	[spmem:s2] =	stream.indirect.scatter.add.f32 [tilespmem:s20], [sflag:$0x1], $0x80, s3, s20, $0xb8;
	[tilespmem:$0x1C080] =	vst v63  }
0x33: {  	_ =	swait.ge [sflag:s19], $0x4000  }
0x34: {  	s23 =	simm.s32 $0x20;
	s22 =	simm.s32 $0x10;
	[sflag:s19] =	ssyncset.done $0x0  }
.LBB2_2:
0x35: {  	s24 =	sadd.s32 s22, s17  }
0x36: {  	[sflag:s19] =	ssyncadd.s32 $0xFFFFC000;
	s22 =	smov.u32 s23;
	s25 =	sadd.s32 $0x10, s23  }
0x37: {  	[tilespmem:s3], [sflag:$0x1] =	stream.linear.gather [hbm4b:s24+s3], $0x80, $0x38;
	[tilespmem:$0x1C080] =	vst v63  }
0x38: {  	p0 =	sne.s32 s23, $0x4F0;
	_ =	swait.ge [sflag:s19], $0x80  }
.Ltmp0:
0x39: {  	[sflag:s19] =	ssyncset.done $0x0;
	(pc) =	sbr.rel @p0 .LBB2_2-.Ltmp0, $4  }
0x3a: {  	[sflag:s19] =	ssyncadd.s32 $0xFFFFFF80  }
0x3b: {  	[spmem:s2] =	stream.indirect.scatter.add.f32 [tilespmem:s20], [sflag:$0x1], $0x80, s3, s20, $0xb8;
	[tilespmem:$0x1C080] =	vst v63  }
0x3c: {  	_ =	swait.ge [sflag:s19], $0x4000  }
0x3d: {  	s23 =	smov.u32 s25;
	[sflag:s19] =	ssyncset.done $0x0  }
0x3e: {  	s22 =	sadd.s32 s22, s17;
	[sflag:s19] =	ssyncadd.s32 $0xFFFFC000  }
0x3f: {  	[tilespmem:s3], [sflag:$0x1] =	stream.linear.gather [hbm4b:s22+s3], $0x80, $0x38;
	[tilespmem:$0x1C080] =	vst v63  }
0x40: {  	_ =	swait.ge [sflag:s19], $0x80  }
0x41: {  	[sflag:s19] =	ssyncset.done $0x0  }
0x42: {  	[sflag:s19] =	ssyncadd.s32 $0xFFFFFF80  }
0x43: {  	[spmem:s2] =	stream.indirect.scatter.add.f32 [tilespmem:s20], [sflag:$0x1], $0x80, s3, s20, $0xb8;
	[tilespmem:$0x1C080] =	vst v63  }
0x44: {  	_ =	swait.ge [sflag:s19], $0x4000  }
0x45: {  	[sflag:s19] =	ssyncset.done $0x0  }
0x46: {  	[sflag:s19] =	ssyncadd.s32 $0xFFFFC000  }
0x47: {  	[bflag:$0x0] =	sbarrier.arrive $0xFFFF  }
0x48: {  	[tilespmem:s18], [sflag:$0x1] =	stream.linear.gather [spmem:s6], $0x4000, $0x38;
	[tilespmem:$0x1C080] =	vst v63  }
0x49: {  	_ =	swait.ge [sflag:s19], $0x4000  }
0x4a: {  	[sflag:s19] =	ssyncset.done $0x0  }
0x4b: {  	[sflag:s19] =	ssyncadd.s32 $0xFFFFC000  }
0x4c: {  	[hbm4b:s11+s3] =	stream.linear.scatter [tilespmem:s18], [sflag:$0x1], $0x4000, $0x38;
	[tilespmem:$0x1C080] =	vst v63  }
0x4d: {  	_ =	swait.ge [sflag:s19], $0x4000  }
0x4e: {  	[sflag:s19] =	ssyncset.done $0x0  }
0x4f: {  	[sflag:s19] =	ssyncadd.s32 $0xFFFFC000  }
0x50: {  	[tilespmem:s18], [sflag:$0x1] =	stream.linear.gather [spmem:s7], $0x4000, $0x38;
	[tilespmem:$0x1C080] =	vst v63  }
0x51: {  	_ =	swait.ge [sflag:s19], $0x4000  }
0x52: {  	[sflag:s19] =	ssyncset.done $0x0  }
0x53: {  	[sflag:s19] =	ssyncadd.s32 $0xFFFFC000  }
0x54: {  	[hbm4b:s12+s3] =	stream.linear.scatter [tilespmem:s18], [sflag:$0x1], $0x4000, $0x38;
	[tilespmem:$0x1C080] =	vst v63  }
0x55: {  	_ =	swait.ge [sflag:s19], $0x4000  }
0x56: {  	[sflag:s19] =	ssyncset.done $0x0  }
0x57: {  	[sflag:s19] =	ssyncadd.s32 $0xFFFFC000  }
0x58: {  	[tilespmem:s18], [sflag:$0x1] =	stream.linear.gather [spmem:s8], $0x4000, $0x38;
	[tilespmem:$0x1C080] =	vst v63  }
0x59: {  	_ =	swait.ge [sflag:s19], $0x4000  }
0x5a: {  	[sflag:s19] =	ssyncset.done $0x0  }
0x5b: {  	[sflag:s19] =	ssyncadd.s32 $0xFFFFC000  }
0x5c: {  	[hbm4b:s13+s3] =	stream.linear.scatter [tilespmem:s18], [sflag:$0x1], $0x4000, $0x38;
	[tilespmem:$0x1C080] =	vst v63  }
0x5d: {  	_ =	swait.ge [sflag:s19], $0x4000  }
0x5e: {  	[sflag:s19] =	ssyncset.done $0x0  }
0x5f: {  	[sflag:s19] =	ssyncadd.s32 $0xFFFFC000  }
0x60: {  	[tilespmem:s18], [sflag:$0x1] =	stream.linear.gather [spmem:s9], $0x4000, $0x38;
	[tilespmem:$0x1C080] =	vst v63  }
0x61: {  	_ =	swait.ge [sflag:s19], $0x4000  }
0x62: {  	[sflag:s19] =	ssyncset.done $0x0  }
0x63: {  	[sflag:s19] =	ssyncadd.s32 $0xFFFFC000  }
0x64: {  	[hbm4b:s14+s3] =	stream.linear.scatter [tilespmem:s18], [sflag:$0x1], $0x4000, $0x38;
	[tilespmem:$0x1C080] =	vst v63  }
0x65: {  	_ =	swait.ge [sflag:s19], $0x4000  }
0x66: {  	[sflag:s19] =	ssyncset.done $0x0  }
0x67: {  	[sflag:s19] =	ssyncadd.s32 $0xFFFFC000  }
0x68: {  	[tilespmem:s18], [sflag:$0x1] =	stream.linear.gather [spmem:s10], $0x4000, $0x38;
	[tilespmem:$0x1C080] =	vst v63  }
0x69: {  	s21 =	sadd.s32 $0x1, s21;
	_ =	swait.ge [sflag:s19], $0x4000  }
0x6a: {  	p0 =	sne.s32 s21, s16;
	[sflag:s19] =	ssyncset.done $0x0  }
.Ltmp1:
0x6b: {  	[sflag:s19] =	ssyncadd.s32 $0xFFFFC000;
	(pc) =	sbr.rel @p0 .LBB2_1-.Ltmp1, $4  }
0x6c: {  	[hbm4b:s15+s3] =	stream.linear.scatter [tilespmem:s18], [sflag:$0x1], $0x4000, $0x38;
	[tilespmem:$0x1C080] =	vst v63  }
0x6d: {  	_ =	swait.ge [sflag:s19], $0x4000  }
0x6e: {  	[sflag:s19] =	ssyncset.done $0x0  }
0x6f: {  	[sflag:s19] =	ssyncadd.s32 $0xFFFFC000  }
0x70: {  	_ =	sfence.sel $0x180000  }
0x71: {  	[bflag:$0x0] =	sbarrier.arrive $0xFFFF  }
0x72: {  	p0 =	sne.s32 s1, $0x0;
	_ =	strace $0x90000047  }
0x73: {  	s0 =	sadd.s32 @!p0 $0x100000, s0;
	[bflag:$0x2] =	sbarrier.arrive $0xFFFF  }
0x74: {  	[sflag:s0] =	ssyncadd.tile.s32 @!p0 $0x1;
	_ =	shalt  }
.Lfunc_end2:
_tile_overlayer_lowered:
.L_overlay_start_2:
0x75: {  	(tag) =	ssettag $0x2  }
0x76: {  	s0 =	rddreg [dreg:$0x0];
	s2 =	stileid.u32  }
0x77: {  	s1 =	rddreg [dreg:$0x1];
	p0 =	sne.s32 s2, $0x0  }
0x78: {  	s3 =	rddreg [dreg:$0x2];
	[bflag:$0x3] =	sbarrier.arrive $0xFFFF;
	s2 =	simm.s32 @!p0 $0x1C01  }
0x79: {  	[timem:s3], [sflag:s2] =	dma.local @!p0 [hbm:s0], s1  }
0x7a: {  	s0 =	simm.s32 @!p0 $0x1  }
0x7b: {  	_ =	swait.ge @!p0 [sflag:s0], s1  }
0x7c: {  	s1 =	ssub.s32 @!p0 $0x0, s1;
	[sflag:s0] =	ssyncset.done @!p0 $0x0  }
0x7d: {  	[sflag:s0] =	ssyncadd.s32 @!p0 s1  }
0x7e: {  	[bflag:$0x3] =	sbarrier.arrive $0xFFFF  }
0x7f: {  	_ =	shalt  }

</sc_bundles>
